<compile_context>
chip_gen: v7x
topology: tpu7x:2x2x1
jax: 0.10.2.dev20260603
libtpu: 0.0.44.dev20260713+nightly
codegen_flags: <defaults>
</compile_context>

<pallas_src>
import functools

import jax
import jax.numpy as jnp
from jax import lax
from jax.experimental import pallas as pl
from jax.experimental.pallas import tpu as pltpu
from jax.experimental.pallas import tpu_sc as plsc

N = 10000
E = 320000
D = 128
G = 64
C = 16

NC = 2
NS = 16
NW = NC * NS

K = 128
CH = 80
EPT = CH * K
EPAD = NW * EPT
NPAD = 10240
RPT = NPAD // NS

ROW_BLK = 512


def _sc_mesh():
    return plsc.VectorSubcoreMesh(core_axis_name="c", subcore_axis_name="s")



DW = D


@functools.partial(
    pl.kernel,
    mesh=_sc_mesh(),
    out_type=jax.ShapeDtypeStruct((NC, NPAD, DW), jnp.float32),
    scratch_types=[
        pltpu.VMEM((CH, K), jnp.int32),
        pltpu.VMEM((K, DW), jnp.float32),
        pltpu.VMEM_SHARED((NPAD, DW), jnp.float32),
        pltpu.SemaphoreType.DMA,
    ],
)
def _sc_degree(dst_hbm, ones_hbm, zeros_hbm, out_hbm, dst_v, ones_v, acc_sh, sem):
    c = lax.axis_index("c")
    s = lax.axis_index("s")
    wid = s * NC + c
    pltpu.sync_copy(zeros_hbm, acc_sh.at[pl.ds(s * RPT, RPT)])
    pltpu.sync_copy(dst_hbm.at[wid], dst_v)
    pltpu.sync_copy(ones_hbm, ones_v)
    plsc.subcore_barrier()

    def chunk(j, carry):
        pltpu.sync_copy(ones_v, acc_sh.at[dst_v.at[j]], add=True)
        return carry

    lax.fori_loop(0, CH, chunk, 0)
    plsc.subcore_barrier()
    pltpu.sync_copy(acc_sh.at[pl.ds(s * RPT, RPT)],
                    out_hbm.at[c, pl.ds(s * RPT, RPT)])


@functools.partial(
    pl.kernel,
    mesh=_sc_mesh(),
    out_type=jax.ShapeDtypeStruct((NC, NPAD, D), jnp.float32),
    scratch_types=[
        pltpu.VMEM((CH, K), jnp.int32),
        pltpu.VMEM((CH, K), jnp.int32),
        pltpu.VMEM((K, D), jnp.float32),
        pltpu.VMEM_SHARED((NPAD, D), jnp.float32),
        pltpu.SemaphoreType.DMA,
    ],
)
def _sc_scatter(g_hbm, src_hbm, dst_hbm, zeros_hbm,
                out_hbm, src_v, dst_v, rows_v, acc_sh, sem):
    c = lax.axis_index("c")
    s = lax.axis_index("s")
    wid = s * NC + c
    pltpu.sync_copy(zeros_hbm, acc_sh.at[pl.ds(s * RPT, RPT)])
    pltpu.sync_copy(src_hbm.at[wid], src_v)
    pltpu.sync_copy(dst_hbm.at[wid], dst_v)
    plsc.subcore_barrier()

    def chunk(j, carry):
        pltpu.async_copy(g_hbm.at[src_v.at[j]], rows_v, sem).wait()
        pltpu.sync_copy(rows_v, acc_sh.at[dst_v.at[j]], add=True)
        return carry

    lax.fori_loop(0, CH, chunk, 0)
    plsc.subcore_barrier()
    pltpu.sync_copy(acc_sh.at[pl.ds(s * RPT, RPT)],
                    out_hbm.at[c, pl.ds(s * RPT, RPT)])



def _dis_block(deg_a, deg_b):
    deg = deg_a[:, :1] + deg_b[:, :1] + 1.0
    return lax.rsqrt(deg)


def _tc_encode_body(x_ref, we_ref, w0_ref, be_ref, dega_ref, degb_ref,
                    g_ref, dis_ref):
    h = jnp.dot(x_ref[...], we_ref[...], preferred_element_type=jnp.float32)
    h = h + be_ref[...]
    dis = _dis_block(dega_ref[...], degb_ref[...])
    dis_ref[...] = jnp.broadcast_to(dis, (ROW_BLK, 16))
    g_ref[...] = dis * jnp.dot(h, w0_ref[...], preferred_element_type=jnp.float32)


def _tc_layer_body(sa_ref, sb_ref, g_ref, dis_in_ref, b_ref, w_ref,
                   gout_ref):
    dis = dis_in_ref[:, :1]
    h = dis * (sa_ref[...] + sb_ref[...] + g_ref[...]) + b_ref[...]
    h = jnp.maximum(h, 0.0)
    gout_ref[...] = dis * jnp.dot(h, w_ref[...], preferred_element_type=jnp.float32)


def _tc_pool_body(sa_ref, sb_ref, g_ref, dis_in_ref, b_ref, batch_ref,
                  pool_ref):
    i = pl.program_id(0)
    dis = dis_in_ref[:, :1]
    h = dis * (sa_ref[...] + sb_ref[...] + g_ref[...]) + b_ref[...]
    h = jnp.maximum(h, 0.0)
    gid = lax.broadcasted_iota(jnp.int32, (G, 1), 0)
    onehot = (batch_ref[...] == gid).astype(jnp.float32)
    p = jnp.dot(onehot, h, preferred_element_type=jnp.float32)

    @pl.when(i == 0)
    def _():
        pool_ref[...] = p

    @pl.when(i > 0)
    def _():
        pool_ref[...] += p


def _tc_readout_body(pool_ref, wr1_ref, br1_ref, wr2_ref, br2_ref, out_ref):
    t = jnp.dot(pool_ref[...], wr1_ref[...], preferred_element_type=jnp.float32)
    t = jnp.maximum(t + br1_ref[...], 0.0)
    out_ref[...] = jnp.dot(t, wr2_ref[...],
                           preferred_element_type=jnp.float32) + br2_ref[...]


def _row_spec():
    return pl.BlockSpec((ROW_BLK, D), lambda i: (i, 0))


def _dup_spec():
    return pl.BlockSpec((NC, ROW_BLK, D), lambda i: (0, i, 0))


def _deg_spec():
    return pl.BlockSpec((ROW_BLK, 16), lambda i: (i, 0))


def _full_spec(shape):
    return pl.BlockSpec(shape, lambda i: tuple(0 for _ in shape))


def _tc_encode(x, we, w0, be, dega, degb):
    return pl.pallas_call(
        _tc_encode_body,
        grid=(NPAD // ROW_BLK,),
        in_specs=[_row_spec(), _full_spec((D, D)), _full_spec((D, D)),
                  _full_spec((1, D)),
                  pl.BlockSpec((ROW_BLK, DW), lambda i: (i, 0)),
                  pl.BlockSpec((ROW_BLK, DW), lambda i: (i, 0))],
        out_specs=[_row_spec(), _deg_spec()],
        out_shape=[jax.ShapeDtypeStruct((NPAD, D), jnp.float32),
                   jax.ShapeDtypeStruct((NPAD, 16), jnp.float32)],
    )(x, we, w0, be, dega, degb)


def _tc_layer(sa, sb, g, dis, b, w):
    return pl.pallas_call(
        _tc_layer_body,
        grid=(NPAD // ROW_BLK,),
        in_specs=[_row_spec(), _row_spec(), _row_spec(), _deg_spec(),
                  _full_spec((1, D)), _full_spec((D, D))],
        out_specs=_row_spec(),
        out_shape=jax.ShapeDtypeStruct((NPAD, D), jnp.float32),
    )(sa, sb, g, dis, b, w)


def _tc_pool(sa, sb, g, dis, b, batch2d):
    return pl.pallas_call(
        _tc_pool_body,
        grid=(NPAD // ROW_BLK,),
        in_specs=[_row_spec(), _row_spec(), _row_spec(), _deg_spec(),
                  _full_spec((1, D)),
                  pl.BlockSpec((1, ROW_BLK), lambda i: (0, i))],
        out_specs=_full_spec((G, D)),
        out_shape=jax.ShapeDtypeStruct((G, D), jnp.float32),
    )(sa, sb, g, dis, b, batch2d)


def _tc_readout(pooled, wr1, br1, wr2, br2):
    return pl.pallas_call(
        _tc_readout_body,
        grid=(1,),
        in_specs=[_full_spec((G, D)), _full_spec((D, D)), _full_spec((1, D)),
                  _full_spec((D, C)), _full_spec((1, C))],
        out_specs=_full_spec((G, C)),
        out_shape=jax.ShapeDtypeStruct((G, C), jnp.float32),
    )(pooled, wr1, br1, wr2, br2)



def kernel(x, c_2, u_2, batch, We, be, W0, b0, W1, b1, W2, b2, Wr1, br1, Wr2, br2):
    pad = EPAD - E
    src_all = jnp.concatenate([c_2, jnp.zeros((pad,), jnp.int32)])
    dst_all = jnp.concatenate([u_2, jnp.full((pad,), N, jnp.int32)])
    src_t = src_all.reshape(NW, CH, K)
    dst_t = dst_all.reshape(NW, CH, K)

    onesW = jnp.ones((K, DW), jnp.float32)
    zerosW = jnp.zeros((RPT, DW), jnp.float32)
    zerosD = jnp.zeros((RPT, D), jnp.float32)

    deg_parts = _sc_degree(dst_t, onesW, zerosW)
    dega = deg_parts[0]
    degb = deg_parts[1]

    be2 = be.reshape(1, D)
    b02 = b0.reshape(1, D)
    b12 = b1.reshape(1, D)
    b22 = b2.reshape(1, D)
    br12 = br1.reshape(1, D)
    br22 = br2.reshape(1, C)
    batch2d = jnp.concatenate(
        [batch, jnp.full((NPAD - N,), G, jnp.int32)]).reshape(1, NPAD)
    xp = jnp.concatenate([x, jnp.zeros((NPAD - N, D), jnp.float32)])

    g0, dis = _tc_encode(xp, We, W0, be2, dega, degb)
    s0 = _sc_scatter(g0, src_t, dst_t, zerosD)
    g1 = _tc_layer(s0[0], s0[1], g0, dis, b02, W1)
    s1 = _sc_scatter(g1, src_t, dst_t, zerosD)
    g2 = _tc_layer(s1[0], s1[1], g1, dis, b12, W2)
    s2 = _sc_scatter(g2, src_t, dst_t, zerosD)
    pooled = _tc_pool(s2[0], s2[1], g2, dis, b22, batch2d)
    return _tc_readout(pooled, Wr1, br12, Wr2, br22)

# --- scband reference (transcript-rebuilt; emitter-appended) ---
"""Pipeline reference for scband-gcnbaseline-32538672234673 (READ-ONLY COPY).

The authoritative reference and input builder live on the scoring server;
editing this copy changes nothing except your own understanding.
"""

import jax, jax.numpy as jnp
import numpy as np

N = 10000
E = 320000
D = 128
C = 16
G = 64


def setup_inputs(seed: int = 0) -> dict:
    key = jax.random.key(seed)
    ks = jax.random.split(key, 16)
    s = 1.0 / np.sqrt(D)
    inp = {}
    inp["x"] = jax.random.normal(ks[0], (N, D), dtype=jnp.float32)
    inp["c_2"] = jax.random.randint(ks[1], (E,), 0, N, dtype=jnp.int32)
    inp["u_2"] = jax.random.randint(ks[2], (E,), 0, N, dtype=jnp.int32)
    inp["batch"] = jnp.sort(jax.random.randint(ks[3], (N,), 0, G, dtype=jnp.int32))
    # encoder Linear(in_dim=128 -> d=128)
    inp["We"] = jax.random.normal(ks[4], (D, D), dtype=jnp.float32) * s
    inp["be"] = jnp.zeros((D,), dtype=jnp.float32)
    # 3 GCNConv layers (d -> d)
    inp["W0"] = jax.random.normal(ks[5], (D, D), dtype=jnp.float32) * s
    inp["b0"] = jnp.zeros((D,), dtype=jnp.float32)
    inp["W1"] = jax.random.normal(ks[6], (D, D), dtype=jnp.float32) * s
    inp["b1"] = jnp.zeros((D,), dtype=jnp.float32)
    inp["W2"] = jax.random.normal(ks[7], (D, D), dtype=jnp.float32) * s
    inp["b2"] = jnp.zeros((D,), dtype=jnp.float32)
    # readout: Linear(d,d) -> ReLU -> Linear(d,num_classes)
    inp["Wr1"] = jax.random.normal(ks[8], (D, D), dtype=jnp.float32) * s
    inp["br1"] = jnp.zeros((D,), dtype=jnp.float32)
    inp["Wr2"] = jax.random.normal(ks[9], (D, C), dtype=jnp.float32) * s
    inp["br2"] = jnp.zeros((C,), dtype=jnp.float32)
    return inp


def _gcn_conv(x, src, dst, W, b):
    n = x.shape[0]
    loop = jnp.arange(n, dtype=src.dtype)
    s = jnp.concatenate([src, loop])
    d = jnp.concatenate([dst, loop])
    ones = jnp.ones(s.shape[0], dtype=x.dtype)
    deg = jax.ops.segment_sum(ones, d, num_segments=n)
    dis = jnp.where(deg > 0, jax.lax.rsqrt(jnp.maximum(deg, 1e-12)), 0.0)
    norm = dis[s] * dis[d]
    h = x @ W
    msg = jnp.take(h, s, axis=0) * norm[:, None]
    out = jax.ops.segment_sum(msg, d, num_segments=n)
    return out + b


def reference(x, c_2, u_2, batch, We, be, W0, b0, W1, b1, W2, b2, Wr1, br1, Wr2, br2):
    # encoder
    h = x @ We + be
    # 3 GCNConv layers with relu (dropout p=0.0 -> identity)
    for (W, b) in ((W0, b0), (W1, b1), (W2, b2)):
        h = _gcn_conv(h, c_2, u_2, W, b)
        h = jax.nn.relu(h)
    # global_add_pool (task_level='graph')
    pooled = jax.ops.segment_sum(h, batch, num_segments=G)
    # readout MLP
    out = jax.nn.relu(pooled @ Wr1 + br1) @ Wr2 + br2
    return out

if __name__ == "__main__":
    import jax
    _d = setup_inputs()
    print(jax.jit(kernel)(*tuple(_d.values())))

</pallas_src>

<mosaic_0001>
#map = affine_map<(d0, d1) -> (0, 0, 0)>
#map1 = affine_map<(d0, d1) -> (0, 0)>
module attributes {stable_mosaic.version = 14 : i64} {
  func.func @_sc_degree(%arg0: i32, %arg1: i32, %arg2: memref<32x80x128xi32, #tpu.memory_space<hbm>>, %arg3: memref<128x128xf32, #tpu.memory_space<hbm>>, %arg4: memref<640x128xf32, #tpu.memory_space<hbm>>, %arg5: memref<2x10240x128xf32, #tpu.memory_space<hbm>>, %arg6: memref<80x128xi32, #tpu.memory_space<vmem>>, %arg7: memref<128x128xf32, #tpu.memory_space<vmem>>, %arg8: memref<10240x128xf32, #tpu.memory_space<vmem_shared>>, %arg9: memref<!tpu.dma_semaphore, #tpu.memory_space<semaphore_mem>>) attributes {dimension_semantics = [#tpu.dimension_semantics<core_parallel>, #tpu.dimension_semantics<subcore_parallel>], iteration_bounds = array<i64: 2, 16>, scalar_prefetch = 0 : i64, scratch_operands = 4 : i64, tpu.core_type = #tpu.core_type<sc_vector_subcore>, window_params = [{transform_indices = #map}, {transform_indices = #map1}, {transform_indices = #map1}, {transform_indices = #map}]} {
    %mul3A = arith.constant 2 : i32
    %mul3A_0 = arith.muli %arg1, %mul3A : i32
    %add3A = arith.addi %mul3A_0, %arg0 : i32
    %mul3A_1 = arith.constant 640 : i32
    %mul3A_2 = arith.muli %arg1, %mul3A_1 : i32
    "tpu.region"() ({
      %run_scoped3A = tpu.sem_alloc : memref<!tpu.dma_semaphore, #tpu.memory_space<semaphore_mem>>
      %dma_start3A = arith.constant 0 : i32
      %dma_start3A_13 = tpu.memref_slice %arg8[%mul3A_2, %dma_start3A] : memref<10240x128xf32, #tpu.memory_space<vmem_shared>> -> memref<640x128xf32, #tpu.memory_space<vmem_shared>>
      tpu.enqueue_dma source(%arg4 : memref<640x128xf32, #tpu.memory_space<hbm>>) target(%dma_start3A_13 : memref<640x128xf32, #tpu.memory_space<vmem_shared>>) target_semaphore(%run_scoped3A : memref<!tpu.dma_semaphore, #tpu.memory_space<semaphore_mem>>)
      %dma_wait3A = arith.constant 0 : i32
      %dma_wait3A_14 = tpu.memref_slice %arg8[%mul3A_2, %dma_wait3A] : memref<10240x128xf32, #tpu.memory_space<vmem_shared>> -> memref<640x128xf32, #tpu.memory_space<vmem_shared>>
      tpu.wait_dma2 semaphore(%run_scoped3A : memref<!tpu.dma_semaphore, #tpu.memory_space<semaphore_mem>>) src(%arg4 : memref<640x128xf32, #tpu.memory_space<hbm>>) dst(%dma_wait3A_14 : memref<640x128xf32, #tpu.memory_space<vmem_shared>>)
      tpu.yield
    }) : () -> ()
    "tpu.region"() ({
      %run_scoped3A = tpu.sem_alloc : memref<!tpu.dma_semaphore, #tpu.memory_space<semaphore_mem>>
      %dma_start3A = arith.constant 0 : i32
      %dma_start3A_13 = arith.constant 0 : i32
      %dma_start3A_14 = tpu.memref_slice %arg2[%add3A, %dma_start3A, %dma_start3A_13] : memref<32x80x128xi32, #tpu.memory_space<hbm>> -> memref<1x80x128xi32, #tpu.memory_space<hbm>>
      %dma_start3A_15 = tpu.memref_squeeze %dma_start3A_14 : memref<1x80x128xi32, #tpu.memory_space<hbm>> -> memref<80x128xi32, #tpu.memory_space<hbm>>
      %dma_start3A_16 = arith.constant 0 : i32
      %dma_start3A_17 = arith.constant 0 : i32
      %dma_start3A_18 = tpu.memref_slice %arg2[%add3A, %dma_start3A_16, %dma_start3A_17] : memref<32x80x128xi32, #tpu.memory_space<hbm>> -> memref<1x80x128xi32, #tpu.memory_space<hbm>>
      %dma_start3A_19 = tpu.memref_squeeze %dma_start3A_18 : memref<1x80x128xi32, #tpu.memory_space<hbm>> -> memref<80x128xi32, #tpu.memory_space<hbm>>
      tpu.enqueue_dma source(%dma_start3A_19 : memref<80x128xi32, #tpu.memory_space<hbm>>) target(%arg6 : memref<80x128xi32, #tpu.memory_space<vmem>>) target_semaphore(%run_scoped3A : memref<!tpu.dma_semaphore, #tpu.memory_space<semaphore_mem>>)
      %dma_wait3A = arith.constant 0 : i32
      %dma_wait3A_20 = arith.constant 0 : i32
      %dma_wait3A_21 = tpu.memref_slice %arg2[%add3A, %dma_wait3A, %dma_wait3A_20] : memref<32x80x128xi32, #tpu.memory_space<hbm>> -> memref<1x80x128xi32, #tpu.memory_space<hbm>>
      %dma_wait3A_22 = tpu.memref_squeeze %dma_wait3A_21 : memref<1x80x128xi32, #tpu.memory_space<hbm>> -> memref<80x128xi32, #tpu.memory_space<hbm>>
      %dma_wait3A_23 = arith.constant 0 : i32
      %dma_wait3A_24 = arith.constant 0 : i32
      %dma_wait3A_25 = tpu.memref_slice %arg2[%add3A, %dma_wait3A_23, %dma_wait3A_24] : memref<32x80x128xi32, #tpu.memory_space<hbm>> -> memref<1x80x128xi32, #tpu.memory_space<hbm>>
      %dma_wait3A_26 = tpu.memref_squeeze %dma_wait3A_25 : memref<1x80x128xi32, #tpu.memory_space<hbm>> -> memref<80x128xi32, #tpu.memory_space<hbm>>
      tpu.wait_dma2 semaphore(%run_scoped3A : memref<!tpu.dma_semaphore, #tpu.memory_space<semaphore_mem>>) src(%dma_wait3A_26 : memref<80x128xi32, #tpu.memory_space<hbm>>) dst(%arg6 : memref<80x128xi32, #tpu.memory_space<vmem>>)
      tpu.yield
    }) : () -> ()
    "tpu.region"() ({
      %run_scoped3A = tpu.sem_alloc : memref<!tpu.dma_semaphore, #tpu.memory_space<semaphore_mem>>
      tpu.enqueue_dma source(%arg3 : memref<128x128xf32, #tpu.memory_space<hbm>>) target(%arg7 : memref<128x128xf32, #tpu.memory_space<vmem>>) target_semaphore(%run_scoped3A : memref<!tpu.dma_semaphore, #tpu.memory_space<semaphore_mem>>)
      tpu.wait_dma2 semaphore(%run_scoped3A : memref<!tpu.dma_semaphore, #tpu.memory_space<semaphore_mem>>) src(%arg3 : memref<128x128xf32, #tpu.memory_space<hbm>>) dst(%arg7 : memref<128x128xf32, #tpu.memory_space<vmem>>)
      tpu.yield
    }) : () -> ()
    %barrier3A = arith.constant 0 : index
    tpu.barrier barrier_id(%barrier3A)
    %scan3A = arith.constant 0 : i32
    %scan3A_3 = arith.constant 0 : i32
    %scan3A_4 = arith.constant 80 : i32
    %scan3A_5 = arith.addi %scan3A_3, %scan3A_4 : i32
    %scan3A_6 = arith.constant 1 : i32
    scf.for %scan3A_13 = %scan3A_3 to %scan3A_5 step %scan3A_6  : i32 {
      "tpu.region"() ({
        %run_scoped3A = tpu.sem_alloc : memref<!tpu.dma_semaphore, #tpu.memory_space<semaphore_mem>>
        %dma_start3A = arith.constant 0 : i32
        %dma_start3A_14 = tpu.memref_slice %arg6[%scan3A_13, %dma_start3A] : memref<80x128xi32, #tpu.memory_space<vmem>> -> memref<1x128xi32, #tpu.memory_space<vmem>>
        %dma_start3A_15 = tpu.memref_squeeze %dma_start3A_14 : memref<1x128xi32, #tpu.memory_space<vmem>> -> memref<128xi32, #tpu.memory_space<vmem>>
        %dma_start3A_16 = arith.constant 0 : i32
        %dma_start3A_17 = arith.constant 0 : i32
        %dma_start3A_18 = tpu.memref_slice %arg8[%dma_start3A_16, %dma_start3A_17] : memref<10240x128xf32, #tpu.memory_space<vmem_shared>> -> memref<10240x128xf32, #tpu.memory_space<vmem_shared>>
        tpu.enqueue_indirect_dma source(%arg7 : memref<128x128xf32, #tpu.memory_space<vmem>>) target(%dma_start3A_18 : memref<10240x128xf32, #tpu.memory_space<vmem_shared>>) offsets(%dma_start3A_15 : memref<128xi32, #tpu.memory_space<vmem>>) semaphore(%run_scoped3A : memref<!tpu.dma_semaphore, #tpu.memory_space<semaphore_mem>>) {add = true}
        %dma_wait3A = arith.constant 0 : i32
        %dma_wait3A_19 = tpu.memref_slice %arg6[%scan3A_13, %dma_wait3A] : memref<80x128xi32, #tpu.memory_space<vmem>> -> memref<1x128xi32, #tpu.memory_space<vmem>>
        %dma_wait3A_20 = tpu.memref_squeeze %dma_wait3A_19 : memref<1x128xi32, #tpu.memory_space<vmem>> -> memref<128xi32, #tpu.memory_space<vmem>>
        %dma_wait3A_21 = arith.constant 0 : i32
        %dma_wait3A_22 = arith.constant 0 : i32
        %dma_wait3A_23 = tpu.memref_slice %arg8[%dma_wait3A_21, %dma_wait3A_22] : memref<10240x128xf32, #tpu.memory_space<vmem_shared>> -> memref<10240x128xf32, #tpu.memory_space<vmem_shared>>
        tpu.wait_indirect_dma semaphore(%run_scoped3A : memref<!tpu.dma_semaphore, #tpu.memory_space<semaphore_mem>>) src(%arg7 : memref<128x128xf32, #tpu.memory_space<vmem>>) dst(%dma_wait3A_23 : memref<10240x128xf32, #tpu.memory_space<vmem_shared>>)
        tpu.yield
      }) : () -> ()
    }
    %scan3A_7 = arith.constant 80 : i32
    %barrier3A_8 = arith.constant 0 : index
    tpu.barrier barrier_id(%barrier3A_8)
    %mul3A_9 = arith.constant 640 : i32
    %mul3A_10 = arith.muli %arg1, %mul3A_9 : i32
    %mul3A_11 = arith.constant 640 : i32
    %mul3A_12 = arith.muli %arg1, %mul3A_11 : i32
    "tpu.region"() ({
      %run_scoped3A = tpu.sem_alloc : memref<!tpu.dma_semaphore, #tpu.memory_space<semaphore_mem>>
      %dma_start3A = arith.constant 0 : i32
      %dma_start3A_13 = tpu.memref_slice %arg5[%arg0, %mul3A_12, %dma_start3A] : memref<2x10240x128xf32, #tpu.memory_space<hbm>> -> memref<1x640x128xf32, #tpu.memory_space<hbm>>
      %dma_start3A_14 = tpu.memref_squeeze %dma_start3A_13 : memref<1x640x128xf32, #tpu.memory_space<hbm>> -> memref<640x128xf32, #tpu.memory_space<hbm>>
      %dma_start3A_15 = arith.constant 0 : i32
      %dma_start3A_16 = tpu.memref_slice %arg8[%mul3A_10, %dma_start3A_15] : memref<10240x128xf32, #tpu.memory_space<vmem_shared>> -> memref<640x128xf32, #tpu.memory_space<vmem_shared>>
      tpu.enqueue_dma source(%dma_start3A_16 : memref<640x128xf32, #tpu.memory_space<vmem_shared>>) target(%dma_start3A_14 : memref<640x128xf32, #tpu.memory_space<hbm>>) target_semaphore(%run_scoped3A : memref<!tpu.dma_semaphore, #tpu.memory_space<semaphore_mem>>)
      %dma_wait3A = arith.constant 0 : i32
      %dma_wait3A_17 = tpu.memref_slice %arg5[%arg0, %mul3A_12, %dma_wait3A] : memref<2x10240x128xf32, #tpu.memory_space<hbm>> -> memref<1x640x128xf32, #tpu.memory_space<hbm>>
      %dma_wait3A_18 = tpu.memref_squeeze %dma_wait3A_17 : memref<1x640x128xf32, #tpu.memory_space<hbm>> -> memref<640x128xf32, #tpu.memory_space<hbm>>
      %dma_wait3A_19 = arith.constant 0 : i32
      %dma_wait3A_20 = tpu.memref_slice %arg8[%mul3A_10, %dma_wait3A_19] : memref<10240x128xf32, #tpu.memory_space<vmem_shared>> -> memref<640x128xf32, #tpu.memory_space<vmem_shared>>
      tpu.wait_dma2 semaphore(%run_scoped3A : memref<!tpu.dma_semaphore, #tpu.memory_space<semaphore_mem>>) src(%dma_wait3A_20 : memref<640x128xf32, #tpu.memory_space<vmem_shared>>) dst(%dma_wait3A_18 : memref<640x128xf32, #tpu.memory_space<hbm>>)
      tpu.yield
    }) : () -> ()
    return
  }
}

#map = affine_map<(d0, d1) -> (0, 0)>
#map1 = affine_map<(d0, d1) -> (0, 0, 0)>
module attributes {stable_mosaic.version = 14 : i64} {
  func.func @_sc_scatter(%arg0: i32, %arg1: i32, %arg2: memref<10240x128xf32, #tpu.memory_space<hbm>>, %arg3: memref<32x80x128xi32, #tpu.memory_space<hbm>>, %arg4: memref<32x80x128xi32, #tpu.memory_space<hbm>>, %arg5: memref<640x128xf32, #tpu.memory_space<hbm>>, %arg6: memref<2x10240x128xf32, #tpu.memory_space<hbm>>, %arg7: memref<80x128xi32, #tpu.memory_space<vmem>>, %arg8: memref<80x128xi32, #tpu.memory_space<vmem>>, %arg9: memref<128x128xf32, #tpu.memory_space<vmem>>, %arg10: memref<10240x128xf32, #tpu.memory_space<vmem_shared>>, %arg11: memref<!tpu.dma_semaphore, #tpu.memory_space<semaphore_mem>>) attributes {dimension_semantics = [#tpu.dimension_semantics<core_parallel>, #tpu.dimension_semantics<subcore_parallel>], iteration_bounds = array<i64: 2, 16>, scalar_prefetch = 0 : i64, scratch_operands = 5 : i64, tpu.core_type = #tpu.core_type<sc_vector_subcore>, window_params = [{transform_indices = #map}, {transform_indices = #map1}, {transform_indices = #map1}, {transform_indices = #map}, {transform_indices = #map1}]} {
    %mul3A = arith.constant 2 : i32
    %mul3A_0 = arith.muli %arg1, %mul3A : i32
    %add3A = arith.addi %mul3A_0, %arg0 : i32
    %mul3A_1 = arith.constant 640 : i32
    %mul3A_2 = arith.muli %arg1, %mul3A_1 : i32
    "tpu.region"() ({
      %run_scoped3A = tpu.sem_alloc : memref<!tpu.dma_semaphore, #tpu.memory_space<semaphore_mem>>
      %dma_start3A = arith.constant 0 : i32
      %dma_start3A_13 = tpu.memref_slice %arg10[%mul3A_2, %dma_start3A] : memref<10240x128xf32, #tpu.memory_space<vmem_shared>> -> memref<640x128xf32, #tpu.memory_space<vmem_shared>>
      tpu.enqueue_dma source(%arg5 : memref<640x128xf32, #tpu.memory_space<hbm>>) target(%dma_start3A_13 : memref<640x128xf32, #tpu.memory_space<vmem_shared>>) target_semaphore(%run_scoped3A : memref<!tpu.dma_semaphore, #tpu.memory_space<semaphore_mem>>)
      %dma_wait3A = arith.constant 0 : i32
      %dma_wait3A_14 = tpu.memref_slice %arg10[%mul3A_2, %dma_wait3A] : memref<10240x128xf32, #tpu.memory_space<vmem_shared>> -> memref<640x128xf32, #tpu.memory_space<vmem_shared>>
      tpu.wait_dma2 semaphore(%run_scoped3A : memref<!tpu.dma_semaphore, #tpu.memory_space<semaphore_mem>>) src(%arg5 : memref<640x128xf32, #tpu.memory_space<hbm>>) dst(%dma_wait3A_14 : memref<640x128xf32, #tpu.memory_space<vmem_shared>>)
      tpu.yield
    }) : () -> ()
    "tpu.region"() ({
      %run_scoped3A = tpu.sem_alloc : memref<!tpu.dma_semaphore, #tpu.memory_space<semaphore_mem>>
      %dma_start3A = arith.constant 0 : i32
      %dma_start3A_13 = arith.constant 0 : i32
      %dma_start3A_14 = tpu.memref_slice %arg3[%add3A, %dma_start3A, %dma_start3A_13] : memref<32x80x128xi32, #tpu.memory_space<hbm>> -> memref<1x80x128xi32, #tpu.memory_space<hbm>>
      %dma_start3A_15 = tpu.memref_squeeze %dma_start3A_14 : memref<1x80x128xi32, #tpu.memory_space<hbm>> -> memref<80x128xi32, #tpu.memory_space<hbm>>
      %dma_start3A_16 = arith.constant 0 : i32
      %dma_start3A_17 = arith.constant 0 : i32
      %dma_start3A_18 = tpu.memref_slice %arg3[%add3A, %dma_start3A_16, %dma_start3A_17] : memref<32x80x128xi32, #tpu.memory_space<hbm>> -> memref<1x80x128xi32, #tpu.memory_space<hbm>>
      %dma_start3A_19 = tpu.memref_squeeze %dma_start3A_18 : memref<1x80x128xi32, #tpu.memory_space<hbm>> -> memref<80x128xi32, #tpu.memory_space<hbm>>
      tpu.enqueue_dma source(%dma_start3A_19 : memref<80x128xi32, #tpu.memory_space<hbm>>) target(%arg7 : memref<80x128xi32, #tpu.memory_space<vmem>>) target_semaphore(%run_scoped3A : memref<!tpu.dma_semaphore, #tpu.memory_space<semaphore_mem>>)
      %dma_wait3A = arith.constant 0 : i32
      %dma_wait3A_20 = arith.constant 0 : i32
      %dma_wait3A_21 = tpu.memref_slice %arg3[%add3A, %dma_wait3A, %dma_wait3A_20] : memref<32x80x128xi32, #tpu.memory_space<hbm>> -> memref<1x80x128xi32, #tpu.memory_space<hbm>>
      %dma_wait3A_22 = tpu.memref_squeeze %dma_wait3A_21 : memref<1x80x128xi32, #tpu.memory_space<hbm>> -> memref<80x128xi32, #tpu.memory_space<hbm>>
      %dma_wait3A_23 = arith.constant 0 : i32
      %dma_wait3A_24 = arith.constant 0 : i32
      %dma_wait3A_25 = tpu.memref_slice %arg3[%add3A, %dma_wait3A_23, %dma_wait3A_24] : memref<32x80x128xi32, #tpu.memory_space<hbm>> -> memref<1x80x128xi32, #tpu.memory_space<hbm>>
      %dma_wait3A_26 = tpu.memref_squeeze %dma_wait3A_25 : memref<1x80x128xi32, #tpu.memory_space<hbm>> -> memref<80x128xi32, #tpu.memory_space<hbm>>
      tpu.wait_dma2 semaphore(%run_scoped3A : memref<!tpu.dma_semaphore, #tpu.memory_space<semaphore_mem>>) src(%dma_wait3A_26 : memref<80x128xi32, #tpu.memory_space<hbm>>) dst(%arg7 : memref<80x128xi32, #tpu.memory_space<vmem>>)
      tpu.yield
    }) : () -> ()
    "tpu.region"() ({
      %run_scoped3A = tpu.sem_alloc : memref<!tpu.dma_semaphore, #tpu.memory_space<semaphore_mem>>
      %dma_start3A = arith.constant 0 : i32
      %dma_start3A_13 = arith.constant 0 : i32
      %dma_start3A_14 = tpu.memref_slice %arg4[%add3A, %dma_start3A, %dma_start3A_13] : memref<32x80x128xi32, #tpu.memory_space<hbm>> -> memref<1x80x128xi32, #tpu.memory_space<hbm>>
      %dma_start3A_15 = tpu.memref_squeeze %dma_start3A_14 : memref<1x80x128xi32, #tpu.memory_space<hbm>> -> memref<80x128xi32, #tpu.memory_space<hbm>>
      %dma_start3A_16 = arith.constant 0 : i32
      %dma_start3A_17 = arith.constant 0 : i32
      %dma_start3A_18 = tpu.memref_slice %arg4[%add3A, %dma_start3A_16, %dma_start3A_17] : memref<32x80x128xi32, #tpu.memory_space<hbm>> -> memref<1x80x128xi32, #tpu.memory_space<hbm>>
      %dma_start3A_19 = tpu.memref_squeeze %dma_start3A_18 : memref<1x80x128xi32, #tpu.memory_space<hbm>> -> memref<80x128xi32, #tpu.memory_space<hbm>>
      tpu.enqueue_dma source(%dma_start3A_19 : memref<80x128xi32, #tpu.memory_space<hbm>>) target(%arg8 : memref<80x128xi32, #tpu.memory_space<vmem>>) target_semaphore(%run_scoped3A : memref<!tpu.dma_semaphore, #tpu.memory_space<semaphore_mem>>)
      %dma_wait3A = arith.constant 0 : i32
      %dma_wait3A_20 = arith.constant 0 : i32
      %dma_wait3A_21 = tpu.memref_slice %arg4[%add3A, %dma_wait3A, %dma_wait3A_20] : memref<32x80x128xi32, #tpu.memory_space<hbm>> -> memref<1x80x128xi32, #tpu.memory_space<hbm>>
      %dma_wait3A_22 = tpu.memref_squeeze %dma_wait3A_21 : memref<1x80x128xi32, #tpu.memory_space<hbm>> -> memref<80x128xi32, #tpu.memory_space<hbm>>
      %dma_wait3A_23 = arith.constant 0 : i32
      %dma_wait3A_24 = arith.constant 0 : i32
      %dma_wait3A_25 = tpu.memref_slice %arg4[%add3A, %dma_wait3A_23, %dma_wait3A_24] : memref<32x80x128xi32, #tpu.memory_space<hbm>> -> memref<1x80x128xi32, #tpu.memory_space<hbm>>
      %dma_wait3A_26 = tpu.memref_squeeze %dma_wait3A_25 : memref<1x80x128xi32, #tpu.memory_space<hbm>> -> memref<80x128xi32, #tpu.memory_space<hbm>>
      tpu.wait_dma2 semaphore(%run_scoped3A : memref<!tpu.dma_semaphore, #tpu.memory_space<semaphore_mem>>) src(%dma_wait3A_26 : memref<80x128xi32, #tpu.memory_space<hbm>>) dst(%arg8 : memref<80x128xi32, #tpu.memory_space<vmem>>)
      tpu.yield
    }) : () -> ()
    %barrier3A = arith.constant 0 : index
    tpu.barrier barrier_id(%barrier3A)
    %scan3A = arith.constant 0 : i32
    %scan3A_3 = arith.constant 0 : i32
    %scan3A_4 = arith.constant 80 : i32
    %scan3A_5 = arith.addi %scan3A_3, %scan3A_4 : i32
    %scan3A_6 = arith.constant 1 : i32
    scf.for %scan3A_13 = %scan3A_3 to %scan3A_5 step %scan3A_6  : i32 {
      %dma_start3A = arith.constant 0 : i32
      %dma_start3A_14 = tpu.memref_slice %arg7[%scan3A_13, %dma_start3A] : memref<80x128xi32, #tpu.memory_space<vmem>> -> memref<1x128xi32, #tpu.memory_space<vmem>>
      %dma_start3A_15 = tpu.memref_squeeze %dma_start3A_14 : memref<1x128xi32, #tpu.memory_space<vmem>> -> memref<128xi32, #tpu.memory_space<vmem>>
      %dma_start3A_16 = arith.constant 0 : i32
      %dma_start3A_17 = arith.constant 0 : i32
      %dma_start3A_18 = tpu.memref_slice %arg2[%dma_start3A_16, %dma_start3A_17] : memref<10240x128xf32, #tpu.memory_space<hbm>> -> memref<10240x128xf32, #tpu.memory_space<hbm>>
      tpu.enqueue_indirect_dma source(%dma_start3A_18 : memref<10240x128xf32, #tpu.memory_space<hbm>>) target(%arg9 : memref<128x128xf32, #tpu.memory_space<vmem>>) offsets(%dma_start3A_15 : memref<128xi32, #tpu.memory_space<vmem>>) semaphore(%arg11 : memref<!tpu.dma_semaphore, #tpu.memory_space<semaphore_mem>>)
      %dma_wait3A = arith.constant 0 : i32
      %dma_wait3A_19 = tpu.memref_slice %arg7[%scan3A_13, %dma_wait3A] : memref<80x128xi32, #tpu.memory_space<vmem>> -> memref<1x128xi32, #tpu.memory_space<vmem>>
      %dma_wait3A_20 = tpu.memref_squeeze %dma_wait3A_19 : memref<1x128xi32, #tpu.memory_space<vmem>> -> memref<128xi32, #tpu.memory_space<vmem>>
      %dma_wait3A_21 = arith.constant 0 : i32
      %dma_wait3A_22 = arith.constant 0 : i32
      %dma_wait3A_23 = tpu.memref_slice %arg2[%dma_wait3A_21, %dma_wait3A_22] : memref<10240x128xf32, #tpu.memory_space<hbm>> -> memref<10240x128xf32, #tpu.memory_space<hbm>>
      tpu.wait_indirect_dma semaphore(%arg11 : memref<!tpu.dma_semaphore, #tpu.memory_space<semaphore_mem>>) src(%dma_wait3A_23 : memref<10240x128xf32, #tpu.memory_space<hbm>>) dst(%arg9 : memref<128x128xf32, #tpu.memory_space<vmem>>)
      "tpu.region"() ({
        %run_scoped3A = tpu.sem_alloc : memref<!tpu.dma_semaphore, #tpu.memory_space<semaphore_mem>>
        %dma_start3A_24 = arith.constant 0 : i32
        %dma_start3A_25 = tpu.memref_slice %arg8[%scan3A_13, %dma_start3A_24] : memref<80x128xi32, #tpu.memory_space<vmem>> -> memref<1x128xi32, #tpu.memory_space<vmem>>
        %dma_start3A_26 = tpu.memref_squeeze %dma_start3A_25 : memref<1x128xi32, #tpu.memory_space<vmem>> -> memref<128xi32, #tpu.memory_space<vmem>>
        %dma_start3A_27 = arith.constant 0 : i32
        %dma_start3A_28 = arith.constant 0 : i32
        %dma_start3A_29 = tpu.memref_slice %arg10[%dma_start3A_27, %dma_start3A_28] : memref<10240x128xf32, #tpu.memory_space<vmem_shared>> -> memref<10240x128xf32, #tpu.memory_space<vmem_shared>>
        tpu.enqueue_indirect_dma source(%arg9 : memref<128x128xf32, #tpu.memory_space<vmem>>) target(%dma_start3A_29 : memref<10240x128xf32, #tpu.memory_space<vmem_shared>>) offsets(%dma_start3A_26 : memref<128xi32, #tpu.memory_space<vmem>>) semaphore(%run_scoped3A : memref<!tpu.dma_semaphore, #tpu.memory_space<semaphore_mem>>) {add = true}
        %dma_wait3A_30 = arith.constant 0 : i32
        %dma_wait3A_31 = tpu.memref_slice %arg8[%scan3A_13, %dma_wait3A_30] : memref<80x128xi32, #tpu.memory_space<vmem>> -> memref<1x128xi32, #tpu.memory_space<vmem>>
        %dma_wait3A_32 = tpu.memref_squeeze %dma_wait3A_31 : memref<1x128xi32, #tpu.memory_space<vmem>> -> memref<128xi32, #tpu.memory_space<vmem>>
        %dma_wait3A_33 = arith.constant 0 : i32
        %dma_wait3A_34 = arith.constant 0 : i32
        %dma_wait3A_35 = tpu.memref_slice %arg10[%dma_wait3A_33, %dma_wait3A_34] : memref<10240x128xf32, #tpu.memory_space<vmem_shared>> -> memref<10240x128xf32, #tpu.memory_space<vmem_shared>>
        tpu.wait_indirect_dma semaphore(%run_scoped3A : memref<!tpu.dma_semaphore, #tpu.memory_space<semaphore_mem>>) src(%arg9 : memref<128x128xf32, #tpu.memory_space<vmem>>) dst(%dma_wait3A_35 : memref<10240x128xf32, #tpu.memory_space<vmem_shared>>)
        tpu.yield
      }) : () -> ()
    }
    %scan3A_7 = arith.constant 80 : i32
    %barrier3A_8 = arith.constant 0 : index
    tpu.barrier barrier_id(%barrier3A_8)
    %mul3A_9 = arith.constant 640 : i32
    %mul3A_10 = arith.muli %arg1, %mul3A_9 : i32
    %mul3A_11 = arith.constant 640 : i32
    %mul3A_12 = arith.muli %arg1, %mul3A_11 : i32
    "tpu.region"() ({
      %run_scoped3A = tpu.sem_alloc : memref<!tpu.dma_semaphore, #tpu.memory_space<semaphore_mem>>
      %dma_start3A = arith.constant 0 : i32
      %dma_start3A_13 = tpu.memref_slice %arg6[%arg0, %mul3A_12, %dma_start3A] : memref<2x10240x128xf32, #tpu.memory_space<hbm>> -> memref<1x640x128xf32, #tpu.memory_space<hbm>>
      %dma_start3A_14 = tpu.memref_squeeze %dma_start3A_13 : memref<1x640x128xf32, #tpu.memory_space<hbm>> -> memref<640x128xf32, #tpu.memory_space<hbm>>
      %dma_start3A_15 = arith.constant 0 : i32
      %dma_start3A_16 = tpu.memref_slice %arg10[%mul3A_10, %dma_start3A_15] : memref<10240x128xf32, #tpu.memory_space<vmem_shared>> -> memref<640x128xf32, #tpu.memory_space<vmem_shared>>
      tpu.enqueue_dma source(%dma_start3A_16 : memref<640x128xf32, #tpu.memory_space<vmem_shared>>) target(%dma_start3A_14 : memref<640x128xf32, #tpu.memory_space<hbm>>) target_semaphore(%run_scoped3A : memref<!tpu.dma_semaphore, #tpu.memory_space<semaphore_mem>>)
      %dma_wait3A = arith.constant 0 : i32
      %dma_wait3A_17 = tpu.memref_slice %arg6[%arg0, %mul3A_12, %dma_wait3A] : memref<2x10240x128xf32, #tpu.memory_space<hbm>> -> memref<1x640x128xf32, #tpu.memory_space<hbm>>
      %dma_wait3A_18 = tpu.memref_squeeze %dma_wait3A_17 : memref<1x640x128xf32, #tpu.memory_space<hbm>> -> memref<640x128xf32, #tpu.memory_space<hbm>>
      %dma_wait3A_19 = arith.constant 0 : i32
      %dma_wait3A_20 = tpu.memref_slice %arg10[%mul3A_10, %dma_wait3A_19] : memref<10240x128xf32, #tpu.memory_space<vmem_shared>> -> memref<640x128xf32, #tpu.memory_space<vmem_shared>>
      tpu.wait_dma2 semaphore(%run_scoped3A : memref<!tpu.dma_semaphore, #tpu.memory_space<semaphore_mem>>) src(%dma_wait3A_20 : memref<640x128xf32, #tpu.memory_space<vmem_shared>>) dst(%dma_wait3A_18 : memref<640x128xf32, #tpu.memory_space<hbm>>)
      tpu.yield
    }) : () -> ()
    return
  }
}

#map = affine_map<(d0, d1) -> (0, 0)>
#map1 = affine_map<(d0, d1) -> (0, 0, 0)>
module attributes {stable_mosaic.version = 14 : i64} {
  func.func @_sc_scatter(%arg0: i32, %arg1: i32, %arg2: memref<10240x128xf32, #tpu.memory_space<hbm>>, %arg3: memref<32x80x128xi32, #tpu.memory_space<hbm>>, %arg4: memref<32x80x128xi32, #tpu.memory_space<hbm>>, %arg5: memref<640x128xf32, #tpu.memory_space<hbm>>, %arg6: memref<2x10240x128xf32, #tpu.memory_space<hbm>>, %arg7: memref<80x128xi32, #tpu.memory_space<vmem>>, %arg8: memref<80x128xi32, #tpu.memory_space<vmem>>, %arg9: memref<128x128xf32, #tpu.memory_space<vmem>>, %arg10: memref<10240x128xf32, #tpu.memory_space<vmem_shared>>, %arg11: memref<!tpu.dma_semaphore, #tpu.memory_space<semaphore_mem>>) attributes {dimension_semantics = [#tpu.dimension_semantics<core_parallel>, #tpu.dimension_semantics<subcore_parallel>], iteration_bounds = array<i64: 2, 16>, scalar_prefetch = 0 : i64, scratch_operands = 5 : i64, tpu.core_type = #tpu.core_type<sc_vector_subcore>, window_params = [{transform_indices = #map}, {transform_indices = #map1}, {transform_indices = #map1}, {transform_indices = #map}, {transform_indices = #map1}]} {
    %mul3A = arith.constant 2 : i32
    %mul3A_0 = arith.muli %arg1, %mul3A : i32
    %add3A = arith.addi %mul3A_0, %arg0 : i32
    %mul3A_1 = arith.constant 640 : i32
    %mul3A_2 = arith.muli %arg1, %mul3A_1 : i32
    "tpu.region"() ({
      %run_scoped3A = tpu.sem_alloc : memref<!tpu.dma_semaphore, #tpu.memory_space<semaphore_mem>>
      %dma_start3A = arith.constant 0 : i32
      %dma_start3A_13 = tpu.memref_slice %arg10[%mul3A_2, %dma_start3A] : memref<10240x128xf32, #tpu.memory_space<vmem_shared>> -> memref<640x128xf32, #tpu.memory_space<vmem_shared>>
      tpu.enqueue_dma source(%arg5 : memref<640x128xf32, #tpu.memory_space<hbm>>) target(%dma_start3A_13 : memref<640x128xf32, #tpu.memory_space<vmem_shared>>) target_semaphore(%run_scoped3A : memref<!tpu.dma_semaphore, #tpu.memory_space<semaphore_mem>>)
      %dma_wait3A = arith.constant 0 : i32
      %dma_wait3A_14 = tpu.memref_slice %arg10[%mul3A_2, %dma_wait3A] : memref<10240x128xf32, #tpu.memory_space<vmem_shared>> -> memref<640x128xf32, #tpu.memory_space<vmem_shared>>
      tpu.wait_dma2 semaphore(%run_scoped3A : memref<!tpu.dma_semaphore, #tpu.memory_space<semaphore_mem>>) src(%arg5 : memref<640x128xf32, #tpu.memory_space<hbm>>) dst(%dma_wait3A_14 : memref<640x128xf32, #tpu.memory_space<vmem_shared>>)
      tpu.yield
    }) : () -> ()
    "tpu.region"() ({
      %run_scoped3A = tpu.sem_alloc : memref<!tpu.dma_semaphore, #tpu.memory_space<semaphore_mem>>
      %dma_start3A = arith.constant 0 : i32
      %dma_start3A_13 = arith.constant 0 : i32
      %dma_start3A_14 = tpu.memref_slice %arg3[%add3A, %dma_start3A, %dma_start3A_13] : memref<32x80x128xi32, #tpu.memory_space<hbm>> -> memref<1x80x128xi32, #tpu.memory_space<hbm>>
      %dma_start3A_15 = tpu.memref_squeeze %dma_start3A_14 : memref<1x80x128xi32, #tpu.memory_space<hbm>> -> memref<80x128xi32, #tpu.memory_space<hbm>>
      %dma_start3A_16 = arith.constant 0 : i32
      %dma_start3A_17 = arith.constant 0 : i32
      %dma_start3A_18 = tpu.memref_slice %arg3[%add3A, %dma_start3A_16, %dma_start3A_17] : memref<32x80x128xi32, #tpu.memory_space<hbm>> -> memref<1x80x128xi32, #tpu.memory_space<hbm>>
      %dma_start3A_19 = tpu.memref_squeeze %dma_start3A_18 : memref<1x80x128xi32, #tpu.memory_space<hbm>> -> memref<80x128xi32, #tpu.memory_space<hbm>>
      tpu.enqueue_dma source(%dma_start3A_19 : memref<80x128xi32, #tpu.memory_space<hbm>>) target(%arg7 : memref<80x128xi32, #tpu.memory_space<vmem>>) target_semaphore(%run_scoped3A : memref<!tpu.dma_semaphore, #tpu.memory_space<semaphore_mem>>)
      %dma_wait3A = arith.constant 0 : i32
      %dma_wait3A_20 = arith.constant 0 : i32
      %dma_wait3A_21 = tpu.memref_slice %arg3[%add3A, %dma_wait3A, %dma_wait3A_20] : memref<32x80x128xi32, #tpu.memory_space<hbm>> -> memref<1x80x128xi32, #tpu.memory_space<hbm>>
      %dma_wait3A_22 = tpu.memref_squeeze %dma_wait3A_21 : memref<1x80x128xi32, #tpu.memory_space<hbm>> -> memref<80x128xi32, #tpu.memory_space<hbm>>
      %dma_wait3A_23 = arith.constant 0 : i32
      %dma_wait3A_24 = arith.constant 0 : i32
      %dma_wait3A_25 = tpu.memref_slice %arg3[%add3A, %dma_wait3A_23, %dma_wait3A_24] : memref<32x80x128xi32, #tpu.memory_space<hbm>> -> memref<1x80x128xi32, #tpu.memory_space<hbm>>
      %dma_wait3A_26 = tpu.memref_squeeze %dma_wait3A_25 : memref<1x80x128xi32, #tpu.memory_space<hbm>> -> memref<80x128xi32, #tpu.memory_space<hbm>>
      tpu.wait_dma2 semaphore(%run_scoped3A : memref<!tpu.dma_semaphore, #tpu.memory_space<semaphore_mem>>) src(%dma_wait3A_26 : memref<80x128xi32, #tpu.memory_space<hbm>>) dst(%arg7 : memref<80x128xi32, #tpu.memory_space<vmem>>)
      tpu.yield
    }) : () -> ()
    "tpu.region"() ({
      %run_scoped3A = tpu.sem_alloc : memref<!tpu.dma_semaphore, #tpu.memory_space<semaphore_mem>>
      %dma_start3A = arith.constant 0 : i32
      %dma_start3A_13 = arith.constant 0 : i32
      %dma_start3A_14 = tpu.memref_slice %arg4[%add3A, %dma_start3A, %dma_start3A_13] : memref<32x80x128xi32, #tpu.memory_space<hbm>> -> memref<1x80x128xi32, #tpu.memory_space<hbm>>
      %dma_start3A_15 = tpu.memref_squeeze %dma_start3A_14 : memref<1x80x128xi32, #tpu.memory_space<hbm>> -> memref<80x128xi32, #tpu.memory_space<hbm>>
      %dma_start3A_16 = arith.constant 0 : i32
      %dma_start3A_17 = arith.constant 0 : i32
      %dma_start3A_18 = tpu.memref_slice %arg4[%add3A, %dma_start3A_16, %dma_start3A_17] : memref<32x80x128xi32, #tpu.memory_space<hbm>> -> memref<1x80x128xi32, #tpu.memory_space<hbm>>
      %dma_start3A_19 = tpu.memref_squeeze %dma_start3A_18 : memref<1x80x128xi32, #tpu.memory_space<hbm>> -> memref<80x128xi32, #tpu.memory_space<hbm>>
      tpu.enqueue_dma source(%dma_start3A_19 : memref<80x128xi32, #tpu.memory_space<hbm>>) target(%arg8 : memref<80x128xi32, #tpu.memory_space<vmem>>) target_semaphore(%run_scoped3A : memref<!tpu.dma_semaphore, #tpu.memory_space<semaphore_mem>>)
      %dma_wait3A = arith.constant 0 : i32
      %dma_wait3A_20 = arith.constant 0 : i32
      %dma_wait3A_21 = tpu.memref_slice %arg4[%add3A, %dma_wait3A, %dma_wait3A_20] : memref<32x80x128xi32, #tpu.memory_space<hbm>> -> memref<1x80x128xi32, #tpu.memory_space<hbm>>
      %dma_wait3A_22 = tpu.memref_squeeze %dma_wait3A_21 : memref<1x80x128xi32, #tpu.memory_space<hbm>> -> memref<80x128xi32, #tpu.memory_space<hbm>>
      %dma_wait3A_23 = arith.constant 0 : i32
      %dma_wait3A_24 = arith.constant 0 : i32
      %dma_wait3A_25 = tpu.memref_slice %arg4[%add3A, %dma_wait3A_23, %dma_wait3A_24] : memref<32x80x128xi32, #tpu.memory_space<hbm>> -> memref<1x80x128xi32, #tpu.memory_space<hbm>>
      %dma_wait3A_26 = tpu.memref_squeeze %dma_wait3A_25 : memref<1x80x128xi32, #tpu.memory_space<hbm>> -> memref<80x128xi32, #tpu.memory_space<hbm>>
      tpu.wait_dma2 semaphore(%run_scoped3A : memref<!tpu.dma_semaphore, #tpu.memory_space<semaphore_mem>>) src(%dma_wait3A_26 : memref<80x128xi32, #tpu.memory_space<hbm>>) dst(%arg8 : memref<80x128xi32, #tpu.memory_space<vmem>>)
      tpu.yield
    }) : () -> ()
    %barrier3A = arith.constant 0 : index
    tpu.barrier barrier_id(%barrier3A)
    %scan3A = arith.constant 0 : i32
    %scan3A_3 = arith.constant 0 : i32
    %scan3A_4 = arith.constant 80 : i32
    %scan3A_5 = arith.addi %scan3A_3, %scan3A_4 : i32
    %scan3A_6 = arith.constant 1 : i32
    scf.for %scan3A_13 = %scan3A_3 to %scan3A_5 step %scan3A_6  : i32 {
      %dma_start3A = arith.constant 0 : i32
      %dma_start3A_14 = tpu.memref_slice %arg7[%scan3A_13, %dma_start3A] : memref<80x128xi32, #tpu.memory_space<vmem>> -> memref<1x128xi32, #tpu.memory_space<vmem>>
      %dma_start3A_15 = tpu.memref_squeeze %dma_start3A_14 : memref<1x128xi32, #tpu.memory_space<vmem>> -> memref<128xi32, #tpu.memory_space<vmem>>
      %dma_start3A_16 = arith.constant 0 : i32
      %dma_start3A_17 = arith.constant 0 : i32
      %dma_start3A_18 = tpu.memref_slice %arg2[%dma_start3A_16, %dma_start3A_17] : memref<10240x128xf32, #tpu.memory_space<hbm>> -> memref<10240x128xf32, #tpu.memory_space<hbm>>
      tpu.enqueue_indirect_dma source(%dma_start3A_18 : memref<10240x128xf32, #tpu.memory_space<hbm>>) target(%arg9 : memref<128x128xf32, #tpu.memory_space<vmem>>) offsets(%dma_start3A_15 : memref<128xi32, #tpu.memory_space<vmem>>) semaphore(%arg11 : memref<!tpu.dma_semaphore, #tpu.memory_space<semaphore_mem>>)
      %dma_wait3A = arith.constant 0 : i32
      %dma_wait3A_19 = tpu.memref_slice %arg7[%scan3A_13, %dma_wait3A] : memref<80x128xi32, #tpu.memory_space<vmem>> -> memref<1x128xi32, #tpu.memory_space<vmem>>
      %dma_wait3A_20 = tpu.memref_squeeze %dma_wait3A_19 : memref<1x128xi32, #tpu.memory_space<vmem>> -> memref<128xi32, #tpu.memory_space<vmem>>
      %dma_wait3A_21 = arith.constant 0 : i32
      %dma_wait3A_22 = arith.constant 0 : i32
      %dma_wait3A_23 = tpu.memref_slice %arg2[%dma_wait3A_21, %dma_wait3A_22] : memref<10240x128xf32, #tpu.memory_space<hbm>> -> memref<10240x128xf32, #tpu.memory_space<hbm>>
      tpu.wait_indirect_dma semaphore(%arg11 : memref<!tpu.dma_semaphore, #tpu.memory_space<semaphore_mem>>) src(%dma_wait3A_23 : memref<10240x128xf32, #tpu.memory_space<hbm>>) dst(%arg9 : memref<128x128xf32, #tpu.memory_space<vmem>>)
      "tpu.region"() ({
        %run_scoped3A = tpu.sem_alloc : memref<!tpu.dma_semaphore, #tpu.memory_space<semaphore_mem>>
        %dma_start3A_24 = arith.constant 0 : i32
        %dma_start3A_25 = tpu.memref_slice %arg8[%scan3A_13, %dma_start3A_24] : memref<80x128xi32, #tpu.memory_space<vmem>> -> memref<1x128xi32, #tpu.memory_space<vmem>>
        %dma_start3A_26 = tpu.memref_squeeze %dma_start3A_25 : memref<1x128xi32, #tpu.memory_space<vmem>> -> memref<128xi32, #tpu.memory_space<vmem>>
        %dma_start3A_27 = arith.constant 0 : i32
        %dma_start3A_28 = arith.constant 0 : i32
        %dma_start3A_29 = tpu.memref_slice %arg10[%dma_start3A_27, %dma_start3A_28] : memref<10240x128xf32, #tpu.memory_space<vmem_shared>> -> memref<10240x128xf32, #tpu.memory_space<vmem_shared>>
        tpu.enqueue_indirect_dma source(%arg9 : memref<128x128xf32, #tpu.memory_space<vmem>>) target(%dma_start3A_29 : memref<10240x128xf32, #tpu.memory_space<vmem_shared>>) offsets(%dma_start3A_26 : memref<128xi32, #tpu.memory_space<vmem>>) semaphore(%run_scoped3A : memref<!tpu.dma_semaphore, #tpu.memory_space<semaphore_mem>>) {add = true}
        %dma_wait3A_30 = arith.constant 0 : i32
        %dma_wait3A_31 = tpu.memref_slice %arg8[%scan3A_13, %dma_wait3A_30] : memref<80x128xi32, #tpu.memory_space<vmem>> -> memref<1x128xi32, #tpu.memory_space<vmem>>
        %dma_wait3A_32 = tpu.memref_squeeze %dma_wait3A_31 : memref<1x128xi32, #tpu.memory_space<vmem>> -> memref<128xi32, #tpu.memory_space<vmem>>
        %dma_wait3A_33 = arith.constant 0 : i32
        %dma_wait3A_34 = arith.constant 0 : i32
        %dma_wait3A_35 = tpu.memref_slice %arg10[%dma_wait3A_33, %dma_wait3A_34] : memref<10240x128xf32, #tpu.memory_space<vmem_shared>> -> memref<10240x128xf32, #tpu.memory_space<vmem_shared>>
        tpu.wait_indirect_dma semaphore(%run_scoped3A : memref<!tpu.dma_semaphore, #tpu.memory_space<semaphore_mem>>) src(%arg9 : memref<128x128xf32, #tpu.memory_space<vmem>>) dst(%dma_wait3A_35 : memref<10240x128xf32, #tpu.memory_space<vmem_shared>>)
        tpu.yield
      }) : () -> ()
    }
    %scan3A_7 = arith.constant 80 : i32
    %barrier3A_8 = arith.constant 0 : index
    tpu.barrier barrier_id(%barrier3A_8)
    %mul3A_9 = arith.constant 640 : i32
    %mul3A_10 = arith.muli %arg1, %mul3A_9 : i32
    %mul3A_11 = arith.constant 640 : i32
    %mul3A_12 = arith.muli %arg1, %mul3A_11 : i32
    "tpu.region"() ({
      %run_scoped3A = tpu.sem_alloc : memref<!tpu.dma_semaphore, #tpu.memory_space<semaphore_mem>>
      %dma_start3A = arith.constant 0 : i32
      %dma_start3A_13 = tpu.memref_slice %arg6[%arg0, %mul3A_12, %dma_start3A] : memref<2x10240x128xf32, #tpu.memory_space<hbm>> -> memref<1x640x128xf32, #tpu.memory_space<hbm>>
      %dma_start3A_14 = tpu.memref_squeeze %dma_start3A_13 : memref<1x640x128xf32, #tpu.memory_space<hbm>> -> memref<640x128xf32, #tpu.memory_space<hbm>>
      %dma_start3A_15 = arith.constant 0 : i32
      %dma_start3A_16 = tpu.memref_slice %arg10[%mul3A_10, %dma_start3A_15] : memref<10240x128xf32, #tpu.memory_space<vmem_shared>> -> memref<640x128xf32, #tpu.memory_space<vmem_shared>>
      tpu.enqueue_dma source(%dma_start3A_16 : memref<640x128xf32, #tpu.memory_space<vmem_shared>>) target(%dma_start3A_14 : memref<640x128xf32, #tpu.memory_space<hbm>>) target_semaphore(%run_scoped3A : memref<!tpu.dma_semaphore, #tpu.memory_space<semaphore_mem>>)
      %dma_wait3A = arith.constant 0 : i32
      %dma_wait3A_17 = tpu.memref_slice %arg6[%arg0, %mul3A_12, %dma_wait3A] : memref<2x10240x128xf32, #tpu.memory_space<hbm>> -> memref<1x640x128xf32, #tpu.memory_space<hbm>>
      %dma_wait3A_18 = tpu.memref_squeeze %dma_wait3A_17 : memref<1x640x128xf32, #tpu.memory_space<hbm>> -> memref<640x128xf32, #tpu.memory_space<hbm>>
      %dma_wait3A_19 = arith.constant 0 : i32
      %dma_wait3A_20 = tpu.memref_slice %arg10[%mul3A_10, %dma_wait3A_19] : memref<10240x128xf32, #tpu.memory_space<vmem_shared>> -> memref<640x128xf32, #tpu.memory_space<vmem_shared>>
      tpu.wait_dma2 semaphore(%run_scoped3A : memref<!tpu.dma_semaphore, #tpu.memory_space<semaphore_mem>>) src(%dma_wait3A_20 : memref<640x128xf32, #tpu.memory_space<vmem_shared>>) dst(%dma_wait3A_18 : memref<640x128xf32, #tpu.memory_space<hbm>>)
      tpu.yield
    }) : () -> ()
    return
  }
}

#map = affine_map<(d0, d1) -> (0, 0)>
#map1 = affine_map<(d0, d1) -> (0, 0, 0)>
module attributes {stable_mosaic.version = 14 : i64} {
  func.func @_sc_scatter(%arg0: i32, %arg1: i32, %arg2: memref<10240x128xf32, #tpu.memory_space<hbm>>, %arg3: memref<32x80x128xi32, #tpu.memory_space<hbm>>, %arg4: memref<32x80x128xi32, #tpu.memory_space<hbm>>, %arg5: memref<640x128xf32, #tpu.memory_space<hbm>>, %arg6: memref<2x10240x128xf32, #tpu.memory_space<hbm>>, %arg7: memref<80x128xi32, #tpu.memory_space<vmem>>, %arg8: memref<80x128xi32, #tpu.memory_space<vmem>>, %arg9: memref<128x128xf32, #tpu.memory_space<vmem>>, %arg10: memref<10240x128xf32, #tpu.memory_space<vmem_shared>>, %arg11: memref<!tpu.dma_semaphore, #tpu.memory_space<semaphore_mem>>) attributes {dimension_semantics = [#tpu.dimension_semantics<core_parallel>, #tpu.dimension_semantics<subcore_parallel>], iteration_bounds = array<i64: 2, 16>, scalar_prefetch = 0 : i64, scratch_operands = 5 : i64, tpu.core_type = #tpu.core_type<sc_vector_subcore>, window_params = [{transform_indices = #map}, {transform_indices = #map1}, {transform_indices = #map1}, {transform_indices = #map}, {transform_indices = #map1}]} {
    %mul3A = arith.constant 2 : i32
    %mul3A_0 = arith.muli %arg1, %mul3A : i32
    %add3A = arith.addi %mul3A_0, %arg0 : i32
    %mul3A_1 = arith.constant 640 : i32
    %mul3A_2 = arith.muli %arg1, %mul3A_1 : i32
    "tpu.region"() ({
      %run_scoped3A = tpu.sem_alloc : memref<!tpu.dma_semaphore, #tpu.memory_space<semaphore_mem>>
      %dma_start3A = arith.constant 0 : i32
      %dma_start3A_13 = tpu.memref_slice %arg10[%mul3A_2, %dma_start3A] : memref<10240x128xf32, #tpu.memory_space<vmem_shared>> -> memref<640x128xf32, #tpu.memory_space<vmem_shared>>
      tpu.enqueue_dma source(%arg5 : memref<640x128xf32, #tpu.memory_space<hbm>>) target(%dma_start3A_13 : memref<640x128xf32, #tpu.memory_space<vmem_shared>>) target_semaphore(%run_scoped3A : memref<!tpu.dma_semaphore, #tpu.memory_space<semaphore_mem>>)
      %dma_wait3A = arith.constant 0 : i32
      %dma_wait3A_14 = tpu.memref_slice %arg10[%mul3A_2, %dma_wait3A] : memref<10240x128xf32, #tpu.memory_space<vmem_shared>> -> memref<640x128xf32, #tpu.memory_space<vmem_shared>>
      tpu.wait_dma2 semaphore(%run_scoped3A : memref<!tpu.dma_semaphore, #tpu.memory_space<semaphore_mem>>) src(%arg5 : memref<640x128xf32, #tpu.memory_space<hbm>>) dst(%dma_wait3A_14 : memref<640x128xf32, #tpu.memory_space<vmem_shared>>)
      tpu.yield
    }) : () -> ()
    "tpu.region"() ({
      %run_scoped3A = tpu.sem_alloc : memref<!tpu.dma_semaphore, #tpu.memory_space<semaphore_mem>>
      %dma_start3A = arith.constant 0 : i32
      %dma_start3A_13 = arith.constant 0 : i32
      %dma_start3A_14 = tpu.memref_slice %arg3[%add3A, %dma_start3A, %dma_start3A_13] : memref<32x80x128xi32, #tpu.memory_space<hbm>> -> memref<1x80x128xi32, #tpu.memory_space<hbm>>
      %dma_start3A_15 = tpu.memref_squeeze %dma_start3A_14 : memref<1x80x128xi32, #tpu.memory_space<hbm>> -> memref<80x128xi32, #tpu.memory_space<hbm>>
      %dma_start3A_16 = arith.constant 0 : i32
      %dma_start3A_17 = arith.constant 0 : i32
      %dma_start3A_18 = tpu.memref_slice %arg3[%add3A, %dma_start3A_16, %dma_start3A_17] : memref<32x80x128xi32, #tpu.memory_space<hbm>> -> memref<1x80x128xi32, #tpu.memory_space<hbm>>
      %dma_start3A_19 = tpu.memref_squeeze %dma_start3A_18 : memref<1x80x128xi32, #tpu.memory_space<hbm>> -> memref<80x128xi32, #tpu.memory_space<hbm>>
      tpu.enqueue_dma source(%dma_start3A_19 : memref<80x128xi32, #tpu.memory_space<hbm>>) target(%arg7 : memref<80x128xi32, #tpu.memory_space<vmem>>) target_semaphore(%run_scoped3A : memref<!tpu.dma_semaphore, #tpu.memory_space<semaphore_mem>>)
      %dma_wait3A = arith.constant 0 : i32
      %dma_wait3A_20 = arith.constant 0 : i32
      %dma_wait3A_21 = tpu.memref_slice %arg3[%add3A, %dma_wait3A, %dma_wait3A_20] : memref<32x80x128xi32, #tpu.memory_space<hbm>> -> memref<1x80x128xi32, #tpu.memory_space<hbm>>
      %dma_wait3A_22 = tpu.memref_squeeze %dma_wait3A_21 : memref<1x80x128xi32, #tpu.memory_space<hbm>> -> memref<80x128xi32, #tpu.memory_space<hbm>>
      %dma_wait3A_23 = arith.constant 0 : i32
      %dma_wait3A_24 = arith.constant 0 : i32
      %dma_wait3A_25 = tpu.memref_slice %arg3[%add3A, %dma_wait3A_23, %dma_wait3A_24] : memref<32x80x128xi32, #tpu.memory_space<hbm>> -> memref<1x80x128xi32, #tpu.memory_space<hbm>>
      %dma_wait3A_26 = tpu.memref_squeeze %dma_wait3A_25 : memref<1x80x128xi32, #tpu.memory_space<hbm>> -> memref<80x128xi32, #tpu.memory_space<hbm>>
      tpu.wait_dma2 semaphore(%run_scoped3A : memref<!tpu.dma_semaphore, #tpu.memory_space<semaphore_mem>>) src(%dma_wait3A_26 : memref<80x128xi32, #tpu.memory_space<hbm>>) dst(%arg7 : memref<80x128xi32, #tpu.memory_space<vmem>>)
      tpu.yield
    }) : () -> ()
    "tpu.region"() ({
      %run_scoped3A = tpu.sem_alloc : memref<!tpu.dma_semaphore, #tpu.memory_space<semaphore_mem>>
      %dma_start3A = arith.constant 0 : i32
      %dma_start3A_13 = arith.constant 0 : i32
      %dma_start3A_14 = tpu.memref_slice %arg4[%add3A, %dma_start3A, %dma_start3A_13] : memref<32x80x128xi32, #tpu.memory_space<hbm>> -> memref<1x80x128xi32, #tpu.memory_space<hbm>>
      %dma_start3A_15 = tpu.memref_squeeze %dma_start3A_14 : memref<1x80x128xi32, #tpu.memory_space<hbm>> -> memref<80x128xi32, #tpu.memory_space<hbm>>
      %dma_start3A_16 = arith.constant 0 : i32
      %dma_start3A_17 = arith.constant 0 : i32
      %dma_start3A_18 = tpu.memref_slice %arg4[%add3A, %dma_start3A_16, %dma_start3A_17] : memref<32x80x128xi32, #tpu.memory_space<hbm>> -> memref<1x80x128xi32, #tpu.memory_space<hbm>>
      %dma_start3A_19 = tpu.memref_squeeze %dma_start3A_18 : memref<1x80x128xi32, #tpu.memory_space<hbm>> -> memref<80x128xi32, #tpu.memory_space<hbm>>
      tpu.enqueue_dma source(%dma_start3A_19 : memref<80x128xi32, #tpu.memory_space<hbm>>) target(%arg8 : memref<80x128xi32, #tpu.memory_space<vmem>>) target_semaphore(%run_scoped3A : memref<!tpu.dma_semaphore, #tpu.memory_space<semaphore_mem>>)
      %dma_wait3A = arith.constant 0 : i32
      %dma_wait3A_20 = arith.constant 0 : i32
      %dma_wait3A_21 = tpu.memref_slice %arg4[%add3A, %dma_wait3A, %dma_wait3A_20] : memref<32x80x128xi32, #tpu.memory_space<hbm>> -> memref<1x80x128xi32, #tpu.memory_space<hbm>>
      %dma_wait3A_22 = tpu.memref_squeeze %dma_wait3A_21 : memref<1x80x128xi32, #tpu.memory_space<hbm>> -> memref<80x128xi32, #tpu.memory_space<hbm>>
      %dma_wait3A_23 = arith.constant 0 : i32
      %dma_wait3A_24 = arith.constant 0 : i32
      %dma_wait3A_25 = tpu.memref_slice %arg4[%add3A, %dma_wait3A_23, %dma_wait3A_24] : memref<32x80x128xi32, #tpu.memory_space<hbm>> -> memref<1x80x128xi32, #tpu.memory_space<hbm>>
      %dma_wait3A_26 = tpu.memref_squeeze %dma_wait3A_25 : memref<1x80x128xi32, #tpu.memory_space<hbm>> -> memref<80x128xi32, #tpu.memory_space<hbm>>
      tpu.wait_dma2 semaphore(%run_scoped3A : memref<!tpu.dma_semaphore, #tpu.memory_space<semaphore_mem>>) src(%dma_wait3A_26 : memref<80x128xi32, #tpu.memory_space<hbm>>) dst(%arg8 : memref<80x128xi32, #tpu.memory_space<vmem>>)
      tpu.yield
    }) : () -> ()
    %barrier3A = arith.constant 0 : index
    tpu.barrier barrier_id(%barrier3A)
    %scan3A = arith.constant 0 : i32
    %scan3A_3 = arith.constant 0 : i32
    %scan3A_4 = arith.constant 80 : i32
    %scan3A_5 = arith.addi %scan3A_3, %scan3A_4 : i32
    %scan3A_6 = arith.constant 1 : i32
    scf.for %scan3A_13 = %scan3A_3 to %scan3A_5 step %scan3A_6  : i32 {
      %dma_start3A = arith.constant 0 : i32
      %dma_start3A_14 = tpu.memref_slice %arg7[%scan3A_13, %dma_start3A] : memref<80x128xi32, #tpu.memory_space<vmem>> -> memref<1x128xi32, #tpu.memory_space<vmem>>
      %dma_start3A_15 = tpu.memref_squeeze %dma_start3A_14 : memref<1x128xi32, #tpu.memory_space<vmem>> -> memref<128xi32, #tpu.memory_space<vmem>>
      %dma_start3A_16 = arith.constant 0 : i32
      %dma_start3A_17 = arith.constant 0 : i32
      %dma_start3A_18 = tpu.memref_slice %arg2[%dma_start3A_16, %dma_start3A_17] : memref<10240x128xf32, #tpu.memory_space<hbm>> -> memref<10240x128xf32, #tpu.memory_space<hbm>>
      tpu.enqueue_indirect_dma source(%dma_start3A_18 : memref<10240x128xf32, #tpu.memory_space<hbm>>) target(%arg9 : memref<128x128xf32, #tpu.memory_space<vmem>>) offsets(%dma_start3A_15 : memref<128xi32, #tpu.memory_space<vmem>>) semaphore(%arg11 : memref<!tpu.dma_semaphore, #tpu.memory_space<semaphore_mem>>)
      %dma_wait3A = arith.constant 0 : i32
      %dma_wait3A_19 = tpu.memref_slice %arg7[%scan3A_13, %dma_wait3A] : memref<80x128xi32, #tpu.memory_space<vmem>> -> memref<1x128xi32, #tpu.memory_space<vmem>>
      %dma_wait3A_20 = tpu.memref_squeeze %dma_wait3A_19 : memref<1x128xi32, #tpu.memory_space<vmem>> -> memref<128xi32, #tpu.memory_space<vmem>>
      %dma_wait3A_21 = arith.constant 0 : i32
      %dma_wait3A_22 = arith.constant 0 : i32
      %dma_wait3A_23 = tpu.memref_slice %arg2[%dma_wait3A_21, %dma_wait3A_22] : memref<10240x128xf32, #tpu.memory_space<hbm>> -> memref<10240x128xf32, #tpu.memory_space<hbm>>
      tpu.wait_indirect_dma semaphore(%arg11 : memref<!tpu.dma_semaphore, #tpu.memory_space<semaphore_mem>>) src(%dma_wait3A_23 : memref<10240x128xf32, #tpu.memory_space<hbm>>) dst(%arg9 : memref<128x128xf32, #tpu.memory_space<vmem>>)
      "tpu.region"() ({
        %run_scoped3A = tpu.sem_alloc : memref<!tpu.dma_semaphore, #tpu.memory_space<semaphore_mem>>
        %dma_start3A_24 = arith.constant 0 : i32
        %dma_start3A_25 = tpu.memref_slice %arg8[%scan3A_13, %dma_start3A_24] : memref<80x128xi32, #tpu.memory_space<vmem>> -> memref<1x128xi32, #tpu.memory_space<vmem>>
        %dma_start3A_26 = tpu.memref_squeeze %dma_start3A_25 : memref<1x128xi32, #tpu.memory_space<vmem>> -> memref<128xi32, #tpu.memory_space<vmem>>
        %dma_start3A_27 = arith.constant 0 : i32
        %dma_start3A_28 = arith.constant 0 : i32
        %dma_start3A_29 = tpu.memref_slice %arg10[%dma_start3A_27, %dma_start3A_28] : memref<10240x128xf32, #tpu.memory_space<vmem_shared>> -> memref<10240x128xf32, #tpu.memory_space<vmem_shared>>
        tpu.enqueue_indirect_dma source(%arg9 : memref<128x128xf32, #tpu.memory_space<vmem>>) target(%dma_start3A_29 : memref<10240x128xf32, #tpu.memory_space<vmem_shared>>) offsets(%dma_start3A_26 : memref<128xi32, #tpu.memory_space<vmem>>) semaphore(%run_scoped3A : memref<!tpu.dma_semaphore, #tpu.memory_space<semaphore_mem>>) {add = true}
        %dma_wait3A_30 = arith.constant 0 : i32
        %dma_wait3A_31 = tpu.memref_slice %arg8[%scan3A_13, %dma_wait3A_30] : memref<80x128xi32, #tpu.memory_space<vmem>> -> memref<1x128xi32, #tpu.memory_space<vmem>>
        %dma_wait3A_32 = tpu.memref_squeeze %dma_wait3A_31 : memref<1x128xi32, #tpu.memory_space<vmem>> -> memref<128xi32, #tpu.memory_space<vmem>>
        %dma_wait3A_33 = arith.constant 0 : i32
        %dma_wait3A_34 = arith.constant 0 : i32
        %dma_wait3A_35 = tpu.memref_slice %arg10[%dma_wait3A_33, %dma_wait3A_34] : memref<10240x128xf32, #tpu.memory_space<vmem_shared>> -> memref<10240x128xf32, #tpu.memory_space<vmem_shared>>
        tpu.wait_indirect_dma semaphore(%run_scoped3A : memref<!tpu.dma_semaphore, #tpu.memory_space<semaphore_mem>>) src(%arg9 : memref<128x128xf32, #tpu.memory_space<vmem>>) dst(%dma_wait3A_35 : memref<10240x128xf32, #tpu.memory_space<vmem_shared>>)
        tpu.yield
      }) : () -> ()
    }
    %scan3A_7 = arith.constant 80 : i32
    %barrier3A_8 = arith.constant 0 : index
    tpu.barrier barrier_id(%barrier3A_8)
    %mul3A_9 = arith.constant 640 : i32
    %mul3A_10 = arith.muli %arg1, %mul3A_9 : i32
    %mul3A_11 = arith.constant 640 : i32
    %mul3A_12 = arith.muli %arg1, %mul3A_11 : i32
    "tpu.region"() ({
      %run_scoped3A = tpu.sem_alloc : memref<!tpu.dma_semaphore, #tpu.memory_space<semaphore_mem>>
      %dma_start3A = arith.constant 0 : i32
      %dma_start3A_13 = tpu.memref_slice %arg6[%arg0, %mul3A_12, %dma_start3A] : memref<2x10240x128xf32, #tpu.memory_space<hbm>> -> memref<1x640x128xf32, #tpu.memory_space<hbm>>
      %dma_start3A_14 = tpu.memref_squeeze %dma_start3A_13 : memref<1x640x128xf32, #tpu.memory_space<hbm>> -> memref<640x128xf32, #tpu.memory_space<hbm>>
      %dma_start3A_15 = arith.constant 0 : i32
      %dma_start3A_16 = tpu.memref_slice %arg10[%mul3A_10, %dma_start3A_15] : memref<10240x128xf32, #tpu.memory_space<vmem_shared>> -> memref<640x128xf32, #tpu.memory_space<vmem_shared>>
      tpu.enqueue_dma source(%dma_start3A_16 : memref<640x128xf32, #tpu.memory_space<vmem_shared>>) target(%dma_start3A_14 : memref<640x128xf32, #tpu.memory_space<hbm>>) target_semaphore(%run_scoped3A : memref<!tpu.dma_semaphore, #tpu.memory_space<semaphore_mem>>)
      %dma_wait3A = arith.constant 0 : i32
      %dma_wait3A_17 = tpu.memref_slice %arg6[%arg0, %mul3A_12, %dma_wait3A] : memref<2x10240x128xf32, #tpu.memory_space<hbm>> -> memref<1x640x128xf32, #tpu.memory_space<hbm>>
      %dma_wait3A_18 = tpu.memref_squeeze %dma_wait3A_17 : memref<1x640x128xf32, #tpu.memory_space<hbm>> -> memref<640x128xf32, #tpu.memory_space<hbm>>
      %dma_wait3A_19 = arith.constant 0 : i32
      %dma_wait3A_20 = tpu.memref_slice %arg10[%mul3A_10, %dma_wait3A_19] : memref<10240x128xf32, #tpu.memory_space<vmem_shared>> -> memref<640x128xf32, #tpu.memory_space<vmem_shared>>
      tpu.wait_dma2 semaphore(%run_scoped3A : memref<!tpu.dma_semaphore, #tpu.memory_space<semaphore_mem>>) src(%dma_wait3A_20 : memref<640x128xf32, #tpu.memory_space<vmem_shared>>) dst(%dma_wait3A_18 : memref<640x128xf32, #tpu.memory_space<hbm>>)
      tpu.yield
    }) : () -> ()
    return
  }
}

module attributes {stable_mosaic.version = 14 : i64} {
  func.func @_tc_encode_body(%arg0: i32, %arg1: memref<512x128xf32, #tpu.memory_space<vmem>>, %arg2: memref<128x128xf32, #tpu.memory_space<vmem>>, %arg3: memref<128x128xf32, #tpu.memory_space<vmem>>, %arg4: memref<1x128xf32, #tpu.memory_space<vmem>>, %arg5: memref<512x128xf32, #tpu.memory_space<vmem>>, %arg6: memref<512x128xf32, #tpu.memory_space<vmem>>, %arg7: memref<512x128xf32, #tpu.memory_space<vmem>>, %arg8: memref<512x16xf32, #tpu.memory_space<vmem>>) attributes {dimension_semantics = [#tpu.dimension_semantics<arbitrary>], iteration_bounds = array<i64: 20>, scalar_prefetch = 0 : i64, scratch_operands = 0 : i64, tpu.core_type = #tpu.core_type<tc>, window_params = [{transform_indices = @transform_0, window_bounds = array<i64: 512, 128>}, {pipeline_mode = #tpu.pipeline_mode<synchronous>, transform_indices = @transform_1, window_bounds = array<i64: 128, 128>}, {pipeline_mode = #tpu.pipeline_mode<synchronous>, transform_indices = @transform_2, window_bounds = array<i64: 128, 128>}, {pipeline_mode = #tpu.pipeline_mode<synchronous>, transform_indices = @transform_3, window_bounds = array<i64: 1, 128>}, {transform_indices = @transform_4, window_bounds = array<i64: 512, 128>}, {transform_indices = @transform_5, window_bounds = array<i64: 512, 128>}, {transform_indices = @transform_6, window_bounds = array<i64: 512, 128>}, {transform_indices = @transform_7, window_bounds = array<i64: 512, 16>}]} {
    %get3A = arith.constant 0 : index
    %get3A_0 = arith.constant 0 : index
    %get3A_1 = vector.load %arg1[%get3A, %get3A_0] : memref<512x128xf32, #tpu.memory_space<vmem>>, vector<512x128xf32>
    %get3A_2 = arith.constant 0 : index
    %get3A_3 = arith.constant 0 : index
    %get3A_4 = vector.load %arg2[%get3A_2, %get3A_3] : memref<128x128xf32, #tpu.memory_space<vmem>>, vector<128x128xf32>
    %dot_general3A = arith.constant dense<0.000000e+00> : vector<512x128xf32>
    %dot_general3A_5 = tpu.matmul %get3A_1, %get3A_4, %dot_general3A {dimension_numbers = #tpu.dot_dimension_numbers<[1], [0], [0], [1], [0, 0, 1, 1], [], []>, transpose_lhs_hint = false} : vector<512x128xf32>, vector<128x128xf32>, vector<512x128xf32> -> vector<512x128xf32>
    %get3A_6 = arith.constant 0 : index
    %get3A_7 = arith.constant 0 : index
    %get3A_8 = vector.load %arg4[%get3A_6, %get3A_7] : memref<1x128xf32, #tpu.memory_space<vmem>>, vector<1x128xf32>
    %add3A = vector.broadcast %get3A_8 : vector<1x128xf32> to vector<512x128xf32>
    %add3A_9 = arith.addf %dot_general3A_5, %add3A : vector<512x128xf32>
    %get3A_10 = arith.constant 0 : index
    %get3A_11 = arith.constant 0 : index
    %get3A_12 = vector.load %arg5[%get3A_10, %get3A_11] : memref<512x128xf32, #tpu.memory_space<vmem>>, vector<512x128xf32>
    %get3A_13 = arith.constant 0 : index
    %get3A_14 = arith.constant 0 : index
    %get3A_15 = vector.load %arg6[%get3A_13, %get3A_14] : memref<512x128xf32, #tpu.memory_space<vmem>>, vector<512x128xf32>
    %slice3A = vector.extract_strided_slice %get3A_12 {offsets = [0, 0], sizes = [512, 1], strides = [1, 1]} : vector<512x128xf32> to vector<512x1xf32>
    %slice3A_16 = vector.extract_strided_slice %get3A_15 {offsets = [0, 0], sizes = [512, 1], strides = [1, 1]} : vector<512x128xf32> to vector<512x1xf32>
    %add3A_17 = arith.addf %slice3A, %slice3A_16 : vector<512x1xf32>
    %add3A_18 = arith.constant 1.000000e+00 : f32
    %add3A_19 = vector.broadcast %add3A_18 : f32 to vector<512x1xf32>
    %add3A_20 = arith.addf %add3A_17, %add3A_19 : vector<512x1xf32>
    %rsqrt3A = math.rsqrt %add3A_20 : vector<512x1xf32>
    %broadcast_in_dim3A = vector.shape_cast %rsqrt3A : vector<512x1xf32> to vector<512x1xf32>
    %broadcast_in_dim3A_21 = vector.broadcast %broadcast_in_dim3A : vector<512x1xf32> to vector<512x16xf32>
    %swap3A = arith.constant 0 : index
    %swap3A_22 = arith.constant 0 : index
    %swap3A_23 = vector.load %arg8[%swap3A, %swap3A_22] : memref<512x16xf32, #tpu.memory_space<vmem>>, vector<512x16xf32>
    tpu.vector_store %arg8[%swap3A, %swap3A_22], %broadcast_in_dim3A_21 {strides = array<i32>} : memref<512x16xf32, #tpu.memory_space<vmem>>, vector<512x16xf32>,
    %get3A_24 = arith.constant 0 : index
    %get3A_25 = arith.constant 0 : index
    %get3A_26 = vector.load %arg3[%get3A_24, %get3A_25] : memref<128x128xf32, #tpu.memory_space<vmem>>, vector<128x128xf32>
    %dot_general3A_27 = arith.constant dense<0.000000e+00> : vector<512x128xf32>
    %dot_general3A_28 = tpu.matmul %add3A_9, %get3A_26, %dot_general3A_27 {dimension_numbers = #tpu.dot_dimension_numbers<[1], [0], [0], [1], [0, 0, 1, 1], [], []>, transpose_lhs_hint = false} : vector<512x128xf32>, vector<128x128xf32>, vector<512x128xf32> -> vector<512x128xf32>
    %mul3A = vector.broadcast %rsqrt3A : vector<512x1xf32> to vector<512x128xf32>
    %mul3A_29 = arith.mulf %mul3A, %dot_general3A_28 : vector<512x128xf32>
    %swap3A_30 = arith.constant 0 : index
    %swap3A_31 = arith.constant 0 : index
    %swap3A_32 = vector.load %arg7[%swap3A_30, %swap3A_31] : memref<512x128xf32, #tpu.memory_space<vmem>>, vector<512x128xf32>
    tpu.vector_store %arg7[%swap3A_30, %swap3A_31], %mul3A_29 {strides = array<i32>} : memref<512x128xf32, #tpu.memory_space<vmem>>, vector<512x128xf32>,
    return
  }
  func.func @transform_0(%arg0: i32) -> (i32, i32) {
    %c0_i32 = arith.constant 0 : i32
    %c0_i32_0 = arith.constant 0 : i32
    return %arg0, %c0_i32 : i32, i32
  }
  func.func @transform_1(%arg0: i32) -> (i32, i32) {
    %c0_i32 = arith.constant 0 : i32
    %c0_i32_0 = arith.constant 0 : i32
    %c0_i32_1 = arith.constant 0 : i32
    return %c0_i32, %c0_i32_0 : i32, i32
  }
  func.func @transform_2(%arg0: i32) -> (i32, i32) {
    %c0_i32 = arith.constant 0 : i32
    %c0_i32_0 = arith.constant 0 : i32
    %c0_i32_1 = arith.constant 0 : i32
    return %c0_i32, %c0_i32_0 : i32, i32
  }
  func.func @transform_3(%arg0: i32) -> (i32, i32) {
    %c0_i32 = arith.constant 0 : i32
    %c0_i32_0 = arith.constant 0 : i32
    %c0_i32_1 = arith.constant 0 : i32
    return %c0_i32, %c0_i32_0 : i32, i32
  }
  func.func @transform_4(%arg0: i32) -> (i32, i32) {
    %c0_i32 = arith.constant 0 : i32
    %c0_i32_0 = arith.constant 0 : i32
    return %arg0, %c0_i32 : i32, i32
  }
  func.func @transform_5(%arg0: i32) -> (i32, i32) {
    %c0_i32 = arith.constant 0 : i32
    %c0_i32_0 = arith.constant 0 : i32
    return %arg0, %c0_i32 : i32, i32
  }
  func.func @transform_6(%arg0: i32) -> (i32, i32) {
    %c0_i32 = arith.constant 0 : i32
    %c0_i32_0 = arith.constant 0 : i32
    return %arg0, %c0_i32 : i32, i32
  }
  func.func @transform_7(%arg0: i32) -> (i32, i32) {
    %c0_i32 = arith.constant 0 : i32
    %c0_i32_0 = arith.constant 0 : i32
    return %arg0, %c0_i32 : i32, i32
  }
}

module attributes {stable_mosaic.version = 14 : i64} {
  func.func @_tc_layer_body(%arg0: i32, %arg1: memref<512x128xf32, #tpu.memory_space<vmem>>, %arg2: memref<512x128xf32, #tpu.memory_space<vmem>>, %arg3: memref<512x128xf32, #tpu.memory_space<vmem>>, %arg4: memref<512x16xf32, #tpu.memory_space<vmem>>, %arg5: memref<1x128xf32, #tpu.memory_space<vmem>>, %arg6: memref<128x128xf32, #tpu.memory_space<vmem>>, %arg7: memref<512x128xf32, #tpu.memory_space<vmem>>) attributes {dimension_semantics = [#tpu.dimension_semantics<arbitrary>], iteration_bounds = array<i64: 20>, scalar_prefetch = 0 : i64, scratch_operands = 0 : i64, tpu.core_type = #tpu.core_type<tc>, window_params = [{transform_indices = @transform_0, window_bounds = array<i64: 512, 128>}, {transform_indices = @transform_1, window_bounds = array<i64: 512, 128>}, {transform_indices = @transform_2, window_bounds = array<i64: 512, 128>}, {transform_indices = @transform_3, window_bounds = array<i64: 512, 16>}, {pipeline_mode = #tpu.pipeline_mode<synchronous>, transform_indices = @transform_4, window_bounds = array<i64: 1, 128>}, {pipeline_mode = #tpu.pipeline_mode<synchronous>, transform_indices = @transform_5, window_bounds = array<i64: 128, 128>}, {transform_indices = @transform_6, window_bounds = array<i64: 512, 128>}]} {
    %get3A = arith.constant 0 : index
    %get3A_0 = arith.constant 0 : index
    %get3A_1 = vector.load %arg4[%get3A, %get3A_0] : memref<512x16xf32, #tpu.memory_space<vmem>>, vector<512x1xf32>
    %get3A_2 = arith.constant 0 : index
    %get3A_3 = arith.constant 0 : index
    %get3A_4 = vector.load %arg1[%get3A_2, %get3A_3] : memref<512x128xf32, #tpu.memory_space<vmem>>, vector<512x128xf32>
    %get3A_5 = arith.constant 0 : index
    %get3A_6 = arith.constant 0 : index
    %get3A_7 = vector.load %arg2[%get3A_5, %get3A_6] : memref<512x128xf32, #tpu.memory_space<vmem>>, vector<512x128xf32>
    %add3A = arith.addf %get3A_4, %get3A_7 : vector<512x128xf32>
    %get3A_8 = arith.constant 0 : index
    %get3A_9 = arith.constant 0 : index
    %get3A_10 = vector.load %arg3[%get3A_8, %get3A_9] : memref<512x128xf32, #tpu.memory_space<vmem>>, vector<512x128xf32>
    %add3A_11 = arith.addf %add3A, %get3A_10 : vector<512x128xf32>
    %mul3A = vector.broadcast %get3A_1 : vector<512x1xf32> to vector<512x128xf32>
    %mul3A_12 = arith.mulf %mul3A, %add3A_11 : vector<512x128xf32>
    %get3A_13 = arith.constant 0 : index
    %get3A_14 = arith.constant 0 : index
    %get3A_15 = vector.load %arg5[%get3A_13, %get3A_14] : memref<1x128xf32, #tpu.memory_space<vmem>>, vector<1x128xf32>
    %add3A_16 = vector.broadcast %get3A_15 : vector<1x128xf32> to vector<512x128xf32>
    %add3A_17 = arith.addf %mul3A_12, %add3A_16 : vector<512x128xf32>
    %max3A = arith.constant 0.000000e+00 : f32
    %max3A_18 = vector.broadcast %max3A : f32 to vector<512x128xf32>
    %max3A_19 = arith.maximumf %add3A_17, %max3A_18 : vector<512x128xf32>
    %get3A_20 = arith.constant 0 : index
    %get3A_21 = arith.constant 0 : index
    %get3A_22 = vector.load %arg6[%get3A_20, %get3A_21] : memref<128x128xf32, #tpu.memory_space<vmem>>, vector<128x128xf32>
    %dot_general3A = arith.constant dense<0.000000e+00> : vector<512x128xf32>
    %dot_general3A_23 = tpu.matmul %max3A_19, %get3A_22, %dot_general3A {dimension_numbers = #tpu.dot_dimension_numbers<[1], [0], [0], [1], [0, 0, 1, 1], [], []>, transpose_lhs_hint = false} : vector<512x128xf32>, vector<128x128xf32>, vector<512x128xf32> -> vector<512x128xf32>
    %mul3A_24 = vector.broadcast %get3A_1 : vector<512x1xf32> to vector<512x128xf32>
    %mul3A_25 = arith.mulf %mul3A_24, %dot_general3A_23 : vector<512x128xf32>
    %swap3A = arith.constant 0 : index
    %swap3A_26 = arith.constant 0 : index
    %swap3A_27 = vector.load %arg7[%swap3A, %swap3A_26] : memref<512x128xf32, #tpu.memory_space<vmem>>, vector<512x128xf32>
    tpu.vector_store %arg7[%swap3A, %swap3A_26], %mul3A_25 {strides = array<i32>} : memref<512x128xf32, #tpu.memory_space<vmem>>, vector<512x128xf32>,
    return
  }
  func.func @transform_0(%arg0: i32) -> (i32, i32) {
    %c0_i32 = arith.constant 0 : i32
    %c0_i32_0 = arith.constant 0 : i32
    return %arg0, %c0_i32 : i32, i32
  }
  func.func @transform_1(%arg0: i32) -> (i32, i32) {
    %c0_i32 = arith.constant 0 : i32
    %c0_i32_0 = arith.constant 0 : i32
    return %arg0, %c0_i32 : i32, i32
  }
  func.func @transform_2(%arg0: i32) -> (i32, i32) {
    %c0_i32 = arith.constant 0 : i32
    %c0_i32_0 = arith.constant 0 : i32
    return %arg0, %c0_i32 : i32, i32
  }
  func.func @transform_3(%arg0: i32) -> (i32, i32) {
    %c0_i32 = arith.constant 0 : i32
    %c0_i32_0 = arith.constant 0 : i32
    return %arg0, %c0_i32 : i32, i32
  }
  func.func @transform_4(%arg0: i32) -> (i32, i32) {
    %c0_i32 = arith.constant 0 : i32
    %c0_i32_0 = arith.constant 0 : i32
    %c0_i32_1 = arith.constant 0 : i32
    return %c0_i32, %c0_i32_0 : i32, i32
  }
  func.func @transform_5(%arg0: i32) -> (i32, i32) {
    %c0_i32 = arith.constant 0 : i32
    %c0_i32_0 = arith.constant 0 : i32
    %c0_i32_1 = arith.constant 0 : i32
    return %c0_i32, %c0_i32_0 : i32, i32
  }
  func.func @transform_6(%arg0: i32) -> (i32, i32) {
    %c0_i32 = arith.constant 0 : i32
    %c0_i32_0 = arith.constant 0 : i32
    return %arg0, %c0_i32 : i32, i32
  }
}

module attributes {stable_mosaic.version = 14 : i64} {
  func.func @_tc_pool_body(%arg0: i32, %arg1: memref<512x128xf32, #tpu.memory_space<vmem>>, %arg2: memref<512x128xf32, #tpu.memory_space<vmem>>, %arg3: memref<512x128xf32, #tpu.memory_space<vmem>>, %arg4: memref<512x16xf32, #tpu.memory_space<vmem>>, %arg5: memref<1x128xf32, #tpu.memory_space<vmem>>, %arg6: memref<1x512xi32, #tpu.memory_space<vmem>>, %arg7: memref<64x128xf32, #tpu.memory_space<vmem>>) attributes {dimension_semantics = [#tpu.dimension_semantics<arbitrary>], iteration_bounds = array<i64: 20>, scalar_prefetch = 0 : i64, scratch_operands = 0 : i64, tpu.core_type = #tpu.core_type<tc>, window_params = [{transform_indices = @transform_0, window_bounds = array<i64: 512, 128>}, {transform_indices = @transform_1, window_bounds = array<i64: 512, 128>}, {transform_indices = @transform_2, window_bounds = array<i64: 512, 128>}, {transform_indices = @transform_3, window_bounds = array<i64: 512, 16>}, {pipeline_mode = #tpu.pipeline_mode<synchronous>, transform_indices = @transform_4, window_bounds = array<i64: 1, 128>}, {transform_indices = @transform_5, window_bounds = array<i64: 1, 512>}, {pipeline_mode = #tpu.pipeline_mode<synchronous>, transform_indices = @transform_6, window_bounds = array<i64: 64, 128>}]} {
    %get3A = arith.constant 0 : index
    %get3A_0 = arith.constant 0 : index
    %get3A_1 = vector.load %arg4[%get3A, %get3A_0] : memref<512x16xf32, #tpu.memory_space<vmem>>, vector<512x1xf32>
    %get3A_2 = arith.constant 0 : index
    %get3A_3 = arith.constant 0 : index
    %get3A_4 = vector.load %arg1[%get3A_2, %get3A_3] : memref<512x128xf32, #tpu.memory_space<vmem>>, vector<512x128xf32>
    %get3A_5 = arith.constant 0 : index
    %get3A_6 = arith.constant 0 : index
    %get3A_7 = vector.load %arg2[%get3A_5, %get3A_6] : memref<512x128xf32, #tpu.memory_space<vmem>>, vector<512x128xf32>
    %add3A = arith.addf %get3A_4, %get3A_7 : vector<512x128xf32>
    %get3A_8 = arith.constant 0 : index
    %get3A_9 = arith.constant 0 : index
    %get3A_10 = vector.load %arg3[%get3A_8, %get3A_9] : memref<512x128xf32, #tpu.memory_space<vmem>>, vector<512x128xf32>
    %add3A_11 = arith.addf %add3A, %get3A_10 : vector<512x128xf32>
    %mul3A = vector.broadcast %get3A_1 : vector<512x1xf32> to vector<512x128xf32>
    %mul3A_12 = arith.mulf %mul3A, %add3A_11 : vector<512x128xf32>
    %get3A_13 = arith.constant 0 : index
    %get3A_14 = arith.constant 0 : index
    %get3A_15 = vector.load %arg5[%get3A_13, %get3A_14] : memref<1x128xf32, #tpu.memory_space<vmem>>, vector<1x128xf32>
    %add3A_16 = vector.broadcast %get3A_15 : vector<1x128xf32> to vector<512x128xf32>
    %add3A_17 = arith.addf %mul3A_12, %add3A_16 : vector<512x128xf32>
    %max3A = arith.constant 0.000000e+00 : f32
    %max3A_18 = vector.broadcast %max3A : f32 to vector<512x128xf32>
    %max3A_19 = arith.maximumf %add3A_17, %max3A_18 : vector<512x128xf32>
    %iota3A = tpu.iota {dimensions = array<i32: 0>} : vector<64x1xi32>
    %get3A_20 = arith.constant 0 : index
    %get3A_21 = arith.constant 0 : index
    %get3A_22 = vector.load %arg6[%get3A_20, %get3A_21] : memref<1x512xi32, #tpu.memory_space<vmem>>, vector<1x512xi32>
    %eq3A = vector.broadcast %get3A_22 : vector<1x512xi32> to vector<64x512xi32>
    %eq3A_23 = vector.broadcast %iota3A : vector<64x1xi32> to vector<64x512xi32>
    %eq3A_24 = arith.cmpi eq, %eq3A, %eq3A_23 : vector<64x512xi32>
    %convert_element_type3A = arith.extui %eq3A_24 : vector<64x512xi1> to vector<64x512xi32>
    %convert_element_type3A_25 = arith.sitofp %convert_element_type3A : vector<64x512xi32> to vector<64x512xf32>
    %dot_general3A = arith.constant dense<0.000000e+00> : vector<64x128xf32>
    %dot_general3A_26 = tpu.matmul %convert_element_type3A_25, %max3A_19, %dot_general3A {dimension_numbers = #tpu.dot_dimension_numbers<[1], [0], [0], [1], [0, 0, 1, 1], [], []>, transpose_lhs_hint = false} : vector<64x512xf32>, vector<512x128xf32>, vector<64x128xf32> -> vector<64x128xf32>
    %eq3A_27 = arith.constant 0 : i32
    %eq3A_28 = arith.cmpi eq, %arg0, %eq3A_27 : i32
    %convert_element_type3A_29 = arith.extui %eq3A_28 : i1 to i32
    %cond3A = arith.constant 0 : i32
    %cond3A_30 = arith.cmpi ne, %convert_element_type3A_29, %cond3A : i32
    scf.if %cond3A_30 {
      %swap3A = arith.constant 0 : index
      %swap3A_35 = arith.constant 0 : index
      %swap3A_36 = vector.load %arg7[%swap3A, %swap3A_35] : memref<64x128xf32, #tpu.memory_space<vmem>>, vector<64x128xf32>
      tpu.vector_store %arg7[%swap3A, %swap3A_35], %dot_general3A_26 {strides = array<i32>} : memref<64x128xf32, #tpu.memory_space<vmem>>, vector<64x128xf32>,
    } else {
    }
    %gt3A = arith.constant 0 : i32
    %gt3A_31 = arith.cmpi sgt, %arg0, %gt3A : i32
    %convert_element_type3A_32 = arith.extui %gt3A_31 : i1 to i32
    %cond3A_33 = arith.constant 0 : i32
    %cond3A_34 = arith.cmpi ne, %convert_element_type3A_32, %cond3A_33 : i32
    scf.if %cond3A_34 {
      %get3A_35 = arith.constant 0 : index
      %get3A_36 = arith.constant 0 : index
      %get3A_37 = vector.load %arg7[%get3A_35, %get3A_36] : memref<64x128xf32, #tpu.memory_space<vmem>>, vector<64x128xf32>
      %add3A_38 = arith.addf %get3A_37, %dot_general3A_26 : vector<64x128xf32>
      %swap3A = arith.constant 0 : index
      %swap3A_39 = arith.constant 0 : index
      %swap3A_40 = vector.load %arg7[%swap3A, %swap3A_39] : memref<64x128xf32, #tpu.memory_space<vmem>>, vector<64x128xf32>
      tpu.vector_store %arg7[%swap3A, %swap3A_39], %add3A_38 {strides = array<i32>} : memref<64x128xf32, #tpu.memory_space<vmem>>, vector<64x128xf32>,
    } else {
    }
    return
  }
  func.func @transform_0(%arg0: i32) -> (i32, i32) {
    %c0_i32 = arith.constant 0 : i32
    %c0_i32_0 = arith.constant 0 : i32
    return %arg0, %c0_i32 : i32, i32
  }
  func.func @transform_1(%arg0: i32) -> (i32, i32) {
    %c0_i32 = arith.constant 0 : i32
    %c0_i32_0 = arith.constant 0 : i32
    return %arg0, %c0_i32 : i32, i32
  }
  func.func @transform_2(%arg0: i32) -> (i32, i32) {
    %c0_i32 = arith.constant 0 : i32
    %c0_i32_0 = arith.constant 0 : i32
    return %arg0, %c0_i32 : i32, i32
  }
  func.func @transform_3(%arg0: i32) -> (i32, i32) {
    %c0_i32 = arith.constant 0 : i32
    %c0_i32_0 = arith.constant 0 : i32
    return %arg0, %c0_i32 : i32, i32
  }
  func.func @transform_4(%arg0: i32) -> (i32, i32) {
    %c0_i32 = arith.constant 0 : i32
    %c0_i32_0 = arith.constant 0 : i32
    %c0_i32_1 = arith.constant 0 : i32
    return %c0_i32, %c0_i32_0 : i32, i32
  }
  func.func @transform_5(%arg0: i32) -> (i32, i32) {
    %c0_i32 = arith.constant 0 : i32
    %c0_i32_0 = arith.constant 0 : i32
    return %c0_i32, %arg0 : i32, i32
  }
  func.func @transform_6(%arg0: i32) -> (i32, i32) {
    %c0_i32 = arith.constant 0 : i32
    %c0_i32_0 = arith.constant 0 : i32
    %c0_i32_1 = arith.constant 0 : i32
    return %c0_i32, %c0_i32_0 : i32, i32
  }
}

module attributes {stable_mosaic.version = 14 : i64} {
  func.func @_tc_readout_body(%arg0: i32, %arg1: memref<64x128xf32, #tpu.memory_space<vmem>>, %arg2: memref<128x128xf32, #tpu.memory_space<vmem>>, %arg3: memref<1x128xf32, #tpu.memory_space<vmem>>, %arg4: memref<128x16xf32, #tpu.memory_space<vmem>>, %arg5: memref<1x16xf32, #tpu.memory_space<vmem>>, %arg6: memref<64x16xf32, #tpu.memory_space<vmem>>) attributes {dimension_semantics = [#tpu.dimension_semantics<arbitrary>], iteration_bounds = array<i64: 1>, scalar_prefetch = 0 : i64, scratch_operands = 0 : i64, tpu.core_type = #tpu.core_type<tc>, window_params = [{pipeline_mode = #tpu.pipeline_mode<synchronous>, transform_indices = @transform_0, window_bounds = array<i64: 64, 128>}, {pipeline_mode = #tpu.pipeline_mode<synchronous>, transform_indices = @transform_1, window_bounds = array<i64: 128, 128>}, {pipeline_mode = #tpu.pipeline_mode<synchronous>, transform_indices = @transform_2, window_bounds = array<i64: 1, 128>}, {pipeline_mode = #tpu.pipeline_mode<synchronous>, transform_indices = @transform_3, window_bounds = array<i64: 128, 16>}, {pipeline_mode = #tpu.pipeline_mode<synchronous>, transform_indices = @transform_4, window_bounds = array<i64: 1, 16>}, {pipeline_mode = #tpu.pipeline_mode<synchronous>, transform_indices = @transform_5, window_bounds = array<i64: 64, 16>}]} {
    %get3A = arith.constant 0 : index
    %get3A_0 = arith.constant 0 : index
    %get3A_1 = vector.load %arg1[%get3A, %get3A_0] : memref<64x128xf32, #tpu.memory_space<vmem>>, vector<64x128xf32>
    %get3A_2 = arith.constant 0 : index
    %get3A_3 = arith.constant 0 : index
    %get3A_4 = vector.load %arg2[%get3A_2, %get3A_3] : memref<128x128xf32, #tpu.memory_space<vmem>>, vector<128x128xf32>
    %dot_general3A = arith.constant dense<0.000000e+00> : vector<64x128xf32>
    %dot_general3A_5 = tpu.matmul %get3A_1, %get3A_4, %dot_general3A {dimension_numbers = #tpu.dot_dimension_numbers<[1], [0], [0], [1], [0, 0, 1, 1], [], []>, transpose_lhs_hint = false} : vector<64x128xf32>, vector<128x128xf32>, vector<64x128xf32> -> vector<64x128xf32>
    %get3A_6 = arith.constant 0 : index
    %get3A_7 = arith.constant 0 : index
    %get3A_8 = vector.load %arg3[%get3A_6, %get3A_7] : memref<1x128xf32, #tpu.memory_space<vmem>>, vector<1x128xf32>
    %add3A = vector.broadcast %get3A_8 : vector<1x128xf32> to vector<64x128xf32>
    %add3A_9 = arith.addf %dot_general3A_5, %add3A : vector<64x128xf32>
    %max3A = arith.constant 0.000000e+00 : f32
    %max3A_10 = vector.broadcast %max3A : f32 to vector<64x128xf32>
    %max3A_11 = arith.maximumf %add3A_9, %max3A_10 : vector<64x128xf32>
    %get3A_12 = arith.constant 0 : index
    %get3A_13 = arith.constant 0 : index
    %get3A_14 = vector.load %arg4[%get3A_12, %get3A_13] : memref<128x16xf32, #tpu.memory_space<vmem>>, vector<128x16xf32>
    %dot_general3A_15 = arith.constant dense<0.000000e+00> : vector<64x16xf32>
    %dot_general3A_16 = tpu.matmul %max3A_11, %get3A_14, %dot_general3A_15 {dimension_numbers = #tpu.dot_dimension_numbers<[1], [0], [0], [1], [0, 0, 1, 1], [], []>, transpose_lhs_hint = false} : vector<64x128xf32>, vector<128x16xf32>, vector<64x16xf32> -> vector<64x16xf32>
    %get3A_17 = arith.constant 0 : index
    %get3A_18 = arith.constant 0 : index
    %get3A_19 = vector.load %arg5[%get3A_17, %get3A_18] : memref<1x16xf32, #tpu.memory_space<vmem>>, vector<1x16xf32>
    %add3A_20 = vector.broadcast %get3A_19 : vector<1x16xf32> to vector<64x16xf32>
    %add3A_21 = arith.addf %dot_general3A_16, %add3A_20 : vector<64x16xf32>
    %swap3A = arith.constant 0 : index
    %swap3A_22 = arith.constant 0 : index
    %swap3A_23 = vector.load %arg6[%swap3A, %swap3A_22] : memref<64x16xf32, #tpu.memory_space<vmem>>, vector<64x16xf32>
    tpu.vector_store %arg6[%swap3A, %swap3A_22], %add3A_21 {strides = array<i32>} : memref<64x16xf32, #tpu.memory_space<vmem>>, vector<64x16xf32>,
    return
  }
  func.func @transform_0(%arg0: i32) -> (i32, i32) {
    %c0_i32 = arith.constant 0 : i32
    %c0_i32_0 = arith.constant 0 : i32
    %c0_i32_1 = arith.constant 0 : i32
    return %c0_i32, %c0_i32_0 : i32, i32
  }
  func.func @transform_1(%arg0: i32) -> (i32, i32) {
    %c0_i32 = arith.constant 0 : i32
    %c0_i32_0 = arith.constant 0 : i32
    %c0_i32_1 = arith.constant 0 : i32
    return %c0_i32, %c0_i32_0 : i32, i32
  }
  func.func @transform_2(%arg0: i32) -> (i32, i32) {
    %c0_i32 = arith.constant 0 : i32
    %c0_i32_0 = arith.constant 0 : i32
    %c0_i32_1 = arith.constant 0 : i32
    return %c0_i32, %c0_i32_0 : i32, i32
  }
  func.func @transform_3(%arg0: i32) -> (i32, i32) {
    %c0_i32 = arith.constant 0 : i32
    %c0_i32_0 = arith.constant 0 : i32
    %c0_i32_1 = arith.constant 0 : i32
    return %c0_i32, %c0_i32_0 : i32, i32
  }
  func.func @transform_4(%arg0: i32) -> (i32, i32) {
    %c0_i32 = arith.constant 0 : i32
    %c0_i32_0 = arith.constant 0 : i32
    %c0_i32_1 = arith.constant 0 : i32
    return %c0_i32, %c0_i32_0 : i32, i32
  }
  func.func @transform_5(%arg0: i32) -> (i32, i32) {
    %c0_i32 = arith.constant 0 : i32
    %c0_i32_0 = arith.constant 0 : i32
    %c0_i32_1 = arith.constant 0 : i32
    return %c0_i32, %c0_i32_0 : i32, i32
  }
}

</mosaic_0001>

<sc_bundles>
// kernel: kernel.11.cloned.1.call-start
scs
__scs_entry_jumppad:
0x0: {  	(pc) =	sbr.rel $0x88, $3  }
0x1: {  	(tag) =	ssettag $0x0;
	lr =	simm.s32 $0x1  }
0x2: {  	[smem:$0x3F91] =	sst lr;
	_ =	strace $0xD0000000  }
0x3: {  	_ = 	snop  }
0x4: {  	_ = 	snop  }
0x5: {  	_ = 	snop  }
0x6: {  	_ = 	snop  }
0x7: {  	_ = 	snop  }
__scs_overlays_trampoline_lowered:
0x8: {  	[smem:$0x3FA0] =	sst s0  }
0x9: {  	[smem:$0x3FA1] =	sst s1  }
0xa: {  	[smem:$0x3FA2] =	sst s2  }
0xb: {  	[smem:$0x3FA3] =	sst s3  }
0xc: {  	[smem:$0x3FA4] =	sst s4  }
0xd: {  	[smem:$0x3FA5] =	sst s5  }
0xe: {  	[smem:$0x3FA6] =	sst s6  }
0xf: {  	[smem:$0x3FA7] =	sst s7  }
0x10: {  	[smem:$0x3FA8] =	sst s8  }
0x11: {  	[smem:$0x3FA9] =	sst s9;
	s0 =	simm.s32 @!p0 $0x0  }
0x12: {  	s1 =	sld [smem:$0x3F8F];
	s0 =	simm.s32 @p0 $0x1  }
0x13: {  	[smem:$0x3FAA] =	sst s0;
	s0 =	simm.s32 @!p1 $0x0  }
0x14: {  	s2 =	sld [smem:$0x3F8E];
	s0 =	simm.s32 @p1 $0x1  }
0x15: {  	[smem:$0x3FAB] =	sst s0;
	s0 =	simm.s32 @!p2 $0x0  }
0x16: {  	s3 =	sld [smem:$0x3FDB];
	s0 =	simm.s32 @p2 $0x1  }
0x17: {  	s4 =	simm.s32 $0x1BF5;
	[smem:$0x3FAD] =	sst s0  }
0x18: {  	s0 =	sld [smem:$0x3F90];
	_ =	swait.ge [sflag:s4], $0x0  }
0x19: {  	s7 =	sld [smem:$0x3F91]  }
0x1a: {  	s8 =	sadd.s32 $0xFFFFE003, lr  }
0x1b: {  	s9 =	sadd.s32 $0xFFFFFEF7, lr;
	s5 =	simm.s32 $0xFFFFFFFF;
	p2 =	slt.u32 s8, $0xFFFFF086  }
0x1c: {  	p1 =	slt.u32 s9, $0xF7A;
	s5 =	simm.s32 @!p2 $0x0  }
0x1d: {  	s5 =	simm.s32 @p1 $0x1;
	p0 =	seq.s32 s7, s2  }
0x1e: {  	s7 =	smul.u32 @!p0 $0xF7A, s2;
	p2 =	seq.s32 @!p0 s5, $0x0  }
0x1f: {  	s9 =	smul.u32 $0xF7A, s1;
	s8 =	simm.s32 @!p0 $0x1BF5;
	p2 =	por !p2, p0  }
0x20: {  	[sflag:s8] =	ssyncset.s32 @!p0 $0xFFFFF086;
	s6 =	sadd.s32 @!p0 s3, s7;
	s7 =	simm.s32 @!p0 $0x108  }
0x21: {  	s3 =	sadd.s32 s3, s9;
	s6 =	sadd.s32 @!p0 $0x88, s6;
	s7 =	simm.s32 @p2 $0x1082  }
0x22: {  	[simem:s7], [sflag:s8] =	dma.local @!p0 [hbm:s6], $0xF7A  }
0x23: {  	s9 =	sor.u32 $0xD0000000, s2;
	s6 =	simm.s32 $0x108;
	_ =	swait.ge @!p0 [sflag:s8], $0x0  }
0x24: {  	s3 =	sadd.s32 $0x88, s3;
	s6 =	simm.s32 @!p1 $0x1082;
	[sflag:s4] =	ssyncset.s32 $0xFFFFF086  }
0x25: {  	[simem:s6], [sflag:s4] =	dma.local [hbm:s3], $0xF7A  }
0x26: {  	[smem:$0x3F91] =	sst s1;
	(tag) =	ssettag s2;
	_ =	strace s9  }
0x27: {  	s1 =	sld [smem:$0x3FA1]  }
0x28: {  	s2 =	sld [smem:$0x3FA2]  }
0x29: {  	s4 =	sld [smem:$0x3FA4]  }
0x2a: {  	p0 =	seq.s32 s5, $0x0;
	s5 =	sld [smem:$0x3FA5]  }
0x2b: {  	s6 =	sld [smem:$0x3FA6]  }
0x2c: {  	s7 =	sld [smem:$0x3FA7]  }
0x2d: {  	s3 =	simm.s32 $0x108;
	s8 =	sld [smem:$0x3FA8]  }
0x2e: {  	s3 =	simm.s32 @!p0 $0x1082;
	s9 =	sld [smem:$0x3FA9]  }
0x2f: {  	lr =	sadd.s32 s0, s3;
	s0 =	sld [smem:$0x3FA0]  }
0x30: {  	s3 =	sld [smem:$0x3FA3]  }
0x31: {  	[smem:$0x3FAC] =	sst s10  }
0x32: {  	s10 =	sld [smem:$0x3FAA];
	_ =	sdelay $0x3  }
0x33: {  	p0 =	seq.s32 s10, $0x1;
	s10 =	sld [smem:$0x3FAC];
	_ =	sdelay $0x3  }
0x34: {  	[smem:$0x3FAC] =	sst s10  }
0x35: {  	s10 =	sld [smem:$0x3FAB];
	_ =	sdelay $0x3  }
0x36: {  	p1 =	seq.s32 s10, $0x1;
	s10 =	sld [smem:$0x3FAC];
	_ =	sdelay $0x3  }
0x37: {  	[smem:$0x3FAC] =	sst s10  }
0x38: {  	s10 =	sld [smem:$0x3FAD]  }
0x39: {  	_ = 	snop;
	(pc) =	sbr.ind lr, $3  }
0x3a: {  	_ = 	snop  }
0x3b: {  	_ = 	snop  }
0x3c: {  	p2 =	seq.s32 s10, $0x1;
	s10 =	sld [smem:$0x3FAC]  }
0x3d: {  	_ =	shalt  }
0x3e: {  	_ =	shalt  }
0x3f: {  	_ =	shalt  }
0x40: {  	_ =	shalt  }
0x41: {  	_ =	shalt  }
0x42: {  	_ =	shalt  }
0x43: {  	_ =	shalt  }
0x44: {  	_ =	shalt  }
0x45: {  	_ =	shalt  }
0x46: {  	_ =	shalt  }
0x47: {  	_ =	shalt  }
0x48: {  	_ =	shalt  }
0x49: {  	_ =	shalt  }
0x4a: {  	_ =	shalt  }
0x4b: {  	_ =	shalt  }
0x4c: {  	_ =	shalt  }
0x4d: {  	_ =	shalt  }
0x4e: {  	_ =	shalt  }
0x4f: {  	_ =	shalt  }
0x50: {  	_ =	shalt  }
0x51: {  	_ =	shalt  }
0x52: {  	_ =	shalt  }
0x53: {  	_ =	shalt  }
0x54: {  	_ =	shalt  }
0x55: {  	_ =	shalt  }
0x56: {  	_ =	shalt  }
0x57: {  	_ =	shalt  }
0x58: {  	_ =	shalt  }
0x59: {  	_ =	shalt  }
0x5a: {  	_ =	shalt  }
0x5b: {  	_ =	shalt  }
0x5c: {  	_ =	shalt  }
0x5d: {  	_ =	shalt  }
0x5e: {  	_ =	shalt  }
0x5f: {  	_ =	shalt  }
0x60: {  	_ =	shalt  }
0x61: {  	_ =	shalt  }
0x62: {  	_ =	shalt  }
0x63: {  	_ =	shalt  }
0x64: {  	_ =	shalt  }
0x65: {  	_ =	shalt  }
0x66: {  	_ =	shalt  }
0x67: {  	_ =	shalt  }
0x68: {  	_ =	shalt  }
0x69: {  	_ =	shalt  }
0x6a: {  	_ =	shalt  }
0x6b: {  	_ =	shalt  }
0x6c: {  	_ =	shalt  }
0x6d: {  	_ =	shalt  }
0x6e: {  	_ =	shalt  }
0x6f: {  	_ =	shalt  }
0x70: {  	_ =	shalt  }
0x71: {  	_ =	shalt  }
0x72: {  	_ =	shalt  }
0x73: {  	_ =	shalt  }
0x74: {  	_ =	shalt  }
0x75: {  	_ =	shalt  }
0x76: {  	_ =	shalt  }
0x77: {  	_ =	shalt  }
0x78: {  	_ =	shalt  }
0x79: {  	_ =	shalt  }
0x7a: {  	_ =	shalt  }
0x7b: {  	_ =	shalt  }
0x7c: {  	_ =	shalt  }
0x7d: {  	_ =	shalt  }
0x7e: {  	_ =	shalt  }
0x7f: {  	_ =	shalt  }
0x80: {  	_ =	shalt  }
0x81: {  	_ =	shalt  }
0x82: {  	_ =	shalt  }
0x83: {  	_ =	shalt  }
0x84: {  	_ =	shalt  }
0x85: {  	_ =	shalt  }
0x86: {  	_ =	shalt  }
0x87: {  	_ =	shalt  }
.Lfunc_end0:
.L_simem_size_0:
called_computation_lowered:
.L_overlay_start_0:
0x88: {  	s2 =	sld [smem:$0x3FD9]  }
0x89: {  	s3 =	sld [smem:$0x3FFE];
	_ =	sdelay $0x1  }
0x8a: {  	s1 =	srdreg.scid  }
0x8b: {  	s0 =	sand.u32 $0x1, s1  }
0x8c: {  	s16 =	sshll.u32 s0, $0xA;
	s2 =	sadd.s32 s3, s2  }
0x8d: {  	s2 =	sadd.s32 s2, s16  }
0x8e: {  	[smem:$0x3FB8] =	sst s2  }
0x8f: {  	_ = 	snop  }
0x90: {  	(tm) =	ssettm $0x1  }
0x91: {  	s17 =	sld [smem:$0x3FFB];
	_ =	sdelay $0x3  }
0x92: {  	_ =	strace s17  }
0x93: {  	s2 =	sld [smem:$0x3FFC];
	_ =	sdelay $0x3  }
0x94: {  	_ =	strace s2  }
0x95: {  	s2 =	sld [smem:$0x3FFD];
	_ =	sdelay $0x3  }
0x96: {  	_ =	strace s2  }
0x97: {  	_ =	strace $0x8FFFFFFF  }
0x98: {  	s18 =	sld [smem:$0x3FDB];
	_ =	sdelay $0x1  }
0x99: {  	s19 =	simm.s32 $_scs_section_size  }
0x9a: {  	s4 =	simm.s32 $_size__tile_overlayer_lowered;
	s5 =	simm.s32 $_tile_overlayer_lowered  }
0x9b: {  	s22 =	simm.s32 $0x1BFF;
	s21 =	sshll.u32 s5, $0x1;
	s2 =	sadd.s32 s19, s18  }
0x9c: {  	s6 =	simm.s32 $0x0;
	s20 =	sshll.u32 s4, $0x1;
	s4 =	sadd.s32 s21, s2  }
0x9d: {  	[timem:s6], [sflag:s22] =	dma.local [hbm:s4], s20  }
0x9e: {  	_ =	swait.ge [sflag:s22], s20  }
0x9f: {  	s3 =	ssub.s32 $0x0, s20;
	[sflag:s22] =	ssyncset.done $0x0  }
0xa0: {  	[sflag:s22] =	ssyncadd.s32 s3;
	_ =	sdelay $0x1  }
0xa1: {  	s23 =	simm.s32 $0x1B8B  }
0xa2: {  	_ =	swait.ge [sflag:s23], $0x1  }
0xa3: {  	[sflag:s23] =	ssyncset.done $0x0  }
0xa4: {  	s25 =	simm.s32 $0x1B8E;
	s24 =	sld [smem:$0x3FFE];
	[sflag:s23] =	ssyncadd.s32 $0xFFFFFFFF  }
0xa5: {  	s26 =	simm.s32 $execute0_lowered;
	[smem:$0x3FD2] =	sst s25  }
0xa6: {  	s4 =	sshll.u32 s26, $0x1;
	_ =	strace $0x80000046;
	[dreg:$0x1] =	wrdreg $0xFFFFFFFF  }
0xa7: {  	s28 =	simm.s32 $_size_execute0_lowered;
	s2 =	sadd.s32 s2, s4;
	[dreg:$0x0] =	wrdreg $0x0  }
0xa8: {  	s4 =	sshll.u32 s28, $0x1;
	[dreg:$0x2] =	wrdreg s2  }
0xa9: {  	[dreg:$0x3] =	wrdreg s4  }
0xaa: {  	[dreg:$0x4] =	wrdreg $0xC0  }
0xab: {  	_ =	task [dreg:s6], $0x5FFFF  }
0xac: {  	[dreg:$0x1] =	wrdreg $0xFFFFFFFF  }
0xad: {  	[dreg:$0x0] =	wrdreg $0x60  }
0xae: {  	[dreg:$0x2] =	wrdreg s24  }
0xaf: {  	[dreg:$0x3] =	wrdreg $0x68000  }
0xb0: {  	[dreg:$0x4] =	wrdreg $0x9  }
0xb1: {  	_ =	task.clear_ibuf [dreg:s6], $0x5FFFF;
	_ =	strace $0x90000046  }
0xb2: {  	s29 =	simm.s32 $0x9;
	_ =	strace $0x80000048  }
0xb3: {  	_ =	swait.ge [sflag:s29], $0x1  }
0xb4: {  	[sflag:s29] =	ssyncadd.s32 $0xFFFFFFFF  }
0xb5: {  	_ =	strace $0x90000048  }
0xb6: {  	_ =	sfence  }
0xb7: {  	s30 =	sld [smem:$0x0];
	_ =	sdelay $0x2  }
0xb8: {  	s31 =	sshll.u32 s1, $0xD;
	s1 =	sshrl.u32 s1, $0x2  }
0xb9: {  	s3 =	sand.u32 $0x4000, s31;
	s1 =	sadd.s32 s1, s30  }
0xba: {  	s0 =	sor.u32 s3, s0;
	s1 =	sshll.u32 s1, $0x11  }
0xbb: {  	s0 =	sor.u32 s1, s0  }
0xbc: {  	s0 =	sadd.s32 $0x8F2B, s0  }
0xbd: {  	[sflag:s0] =	ssyncadd.remote.s32 $0x1  }
0xbe: {  	_ =	sfence.sel $0xFFFF  }
0xbf: {  	[dreg:$0x0] =	wrdreg $0xFFFFFFFF;
	(pc) =	sbr.abs _section_cstart, $3  }
0xc0: {  	[dreg:$0x1] =	wrdreg $0xFFFFFFFF  }
0xc1: {  	_ =	task.clear_ibuf [dreg:s6], $0x2FFFF;
	_ =	strace $0x9FFFFFFF  }
0xc2: {  	(tm) =	ssettm $0x7FFFFFFF  }
0xc3: {  	_ =	shalt  }
tec
execute0_lowered:
.L_overlay_start_1:
0x0: {  	(tag) =	ssettag $0x1  }
0x1: {  	s1 =	srdreg.scid  }
0x2: {  	s0 =	stileid.u32;
	s7 =	rddreg [dreg:$0x0]  }
0x3: {  	s2 =	rddreg [dreg:$0x1];
	s3 =	simm.s32 $0x0;
	s12 =	simm.s32 $0x2800  }
0x4: {  	s13 =	simm.s32 $0x80;
	s14 =	simm.s32 $0x0;
	s8 =	smul.u32 $0x14000, s0  }
0x5: {  	s6 =	sand.u32 $0x1, s1;
	s29 =	sshll.u32 s0, $0x1;
	s10 =	smul.u32 $0x50000, s0  }
0x6: {  	[smem:$0x7FF] =	sst s3;
	s1 =	sor.u32 s6, s29;
	s5 =	smul.u32 $0x140000, s6  }
0x7: {  	s31 =	sshll.u32 s0, $0x6;
	s6 =	ssub.s32 $0x2, s6;
	s4 =	smul.u32 $0x500, s1  }
0x8: {  	s1 =	rddreg [dreg:$0x2];
	_ =	strace $0x80000047;
	s30 =	sshrl.u32 s6, $0x1  }
0x9: {  	s10 =	sshrl.u32 s10, $0x2;
	s8 =	sadd.s32 s8, s5;
	s5 =	sadd.s32 $0x10600, s7  }
0xa: {  	s11 =	ssub.s32 s6, s30;
	s10 =	sadd.s32 s10, s2;
	s6 =	sor.u32 $0x1C01, s31  }
0xb: {  	s9 =	sadd.s32 s4, s7;
	s4 =	sadd.s32 $0x12E00, s7;
	s8 =	sshrl.u32 s8, $0x3  }
0xc: {  	s10 =	sshrl.u32 s10, $0x3;
	s8 =	sadd.s32 s8, s7;
	s7 =	sadd.s32 $0x6600, s9  }
0xd: {  	s9 =	smax.u32 s11, $0x1;
	s11 =	simm.s32 $0x1;
	s8 =	sadd.s32 $0x13600, s8  }
.LBB2_1:
0xe: {  	[spmem:s10], [sflag:s6] =	dma.local [hbm:s5], $0x2800  }
0xf: {  	_ =	swait.ge [sflag:s11], $0x2800  }
0x10: {  	[sflag:s11] =	ssyncset.done $0x0  }
0x11: {  	[sflag:s11] =	ssyncadd.s32 $0xFFFFD800  }
0x12: {  	[tilespmem:s3], [sflag:$0x1] =	stream.linear.gather [hbm4b:s7+s3], $0x2800, $0x38;
	[tilespmem:$0x1A800] =	vst v63  }
0x13: {  	_ =	swait.ge [sflag:s11], $0x2800  }
0x14: {  	[sflag:s11] =	ssyncset.done $0x0  }
0x15: {  	[sflag:s11] =	ssyncadd.s32 $0xFFFFD800  }
0x16: {  	[tilespmem:s12], [sflag:$0x1] =	stream.linear.gather [hbm4b:s4+s3], $0x4000, $0x38;
	[tilespmem:$0x1A800] =	vst v63  }
0x17: {  	_ =	swait.ge [sflag:s11], $0x4000  }
0x18: {  	[sflag:s11] =	ssyncset.done $0x0  }
0x19: {  	[sflag:s11] =	ssyncadd.s32 $0xFFFFC000  }
0x1a: {  	s15 =	simm.s32 $0x0;
	[bflag:$0x0] =	sbarrier.arrive $0xFFFF  }
0x1b: {  	[spmem:s2] =	stream.indirect.scatter.add.f32 [tilespmem:s12], [sflag:$0x1], $0x80, s15, s13, $0xb8;
	[tilespmem:$0x1A800] =	vst v63  }
0x1c: {  	_ =	swait.ge [sflag:s11], $0x4000  }
0x1d: {  	s15 =	simm.s32 $0x200;
	[sflag:s11] =	ssyncset.done $0x0  }
.LBB2_2:
0x1e: {  	s16 =	sshra.s32 s15, $0x2;
	[sflag:s11] =	ssyncadd.s32 $0xFFFFC000;
	p0 =	sne.s32 s15, $0x9E00  }
0x1f: {  	[spmem:s2] =	stream.indirect.scatter.add.f32 [tilespmem:s12], [sflag:$0x1], $0x80, s16, s13, $0xb8;
	[tilespmem:$0x1A800] =	vst v63  }
.Ltmp0:
0x20: {  	_ = 	snop;
	(pc) =	sbr.rel @p0 .LBB2_2-.Ltmp0, $4  }
0x21: {  	_ = 	snop  }
0x22: {  	s15 =	sadd.s32 $0x200, s15  }
0x23: {  	_ =	swait.ge [sflag:s11], $0x4000  }
0x24: {  	[sflag:s11] =	ssyncset.done $0x0  }
0x25: {  	s14 =	sadd.s32 $0x1, s14  }
0x26: {  	[sflag:s11] =	ssyncadd.s32 $0xFFFFC000;
	p0 =	sne.s32 s14, s9  }
.Ltmp1:
0x27: {  	[bflag:$0x0] =	sbarrier.arrive $0xFFFF;
	(pc) =	sbr.rel @p0 .LBB2_1-.Ltmp1, $4  }
0x28: {  	[hbm:s8], [sflag:s6] =	dma.local [spmem:s10], $0x2800  }
0x29: {  	_ =	swait.ge [sflag:s11], $0x2800  }
0x2a: {  	[sflag:s11] =	ssyncset.done $0x0  }
0x2b: {  	[sflag:s11] =	ssyncadd.s32 $0xFFFFD800  }
0x2c: {  	_ =	sfence.sel $0x180000  }
0x2d: {  	[bflag:$0x0] =	sbarrier.arrive $0xFFFF  }
0x2e: {  	p0 =	sne.s32 s0, $0x0;
	_ =	strace $0x90000047  }
0x2f: {  	s0 =	sadd.s32 @!p0 $0x100000, s1;
	[bflag:$0x2] =	sbarrier.arrive $0xFFFF  }
0x30: {  	[sflag:s0] =	ssyncadd.tile.s32 @!p0 $0x1;
	_ =	shalt  }
.Lfunc_end2:
_tile_overlayer_lowered:
.L_overlay_start_2:
0x31: {  	(tag) =	ssettag $0x2  }
0x32: {  	s0 =	rddreg [dreg:$0x0];
	s2 =	stileid.u32  }
0x33: {  	s1 =	rddreg [dreg:$0x1];
	p0 =	sne.s32 s2, $0x0  }
0x34: {  	s3 =	rddreg [dreg:$0x2];
	[bflag:$0x3] =	sbarrier.arrive $0xFFFF;
	s2 =	simm.s32 @!p0 $0x1C01  }
0x35: {  	[timem:s3], [sflag:s2] =	dma.local @!p0 [hbm:s0], s1  }
0x36: {  	s0 =	simm.s32 @!p0 $0x1  }
0x37: {  	_ =	swait.ge @!p0 [sflag:s0], s1  }
0x38: {  	s1 =	ssub.s32 @!p0 $0x0, s1;
	[sflag:s0] =	ssyncset.done @!p0 $0x0  }
0x39: {  	[sflag:s0] =	ssyncadd.s32 @!p0 s1  }
0x3a: {  	[bflag:$0x3] =	sbarrier.arrive $0xFFFF  }
0x3b: {  	_ =	shalt  }

// kernel: kernel.14.cloned.1.call-start
scs
__scs_entry_jumppad:
0x0: {  	(pc) =	sbr.rel $0x88, $3  }
0x1: {  	(tag) =	ssettag $0x0;
	lr =	simm.s32 $0x1  }
0x2: {  	[smem:$0x3F91] =	sst lr;
	_ =	strace $0xD0000000  }
0x3: {  	_ = 	snop  }
0x4: {  	_ = 	snop  }
0x5: {  	_ = 	snop  }
0x6: {  	_ = 	snop  }
0x7: {  	_ = 	snop  }
__scs_overlays_trampoline_lowered:
0x8: {  	[smem:$0x3FA0] =	sst s0  }
0x9: {  	[smem:$0x3FA1] =	sst s1  }
0xa: {  	[smem:$0x3FA2] =	sst s2  }
0xb: {  	[smem:$0x3FA3] =	sst s3  }
0xc: {  	[smem:$0x3FA4] =	sst s4  }
0xd: {  	[smem:$0x3FA5] =	sst s5  }
0xe: {  	[smem:$0x3FA6] =	sst s6  }
0xf: {  	[smem:$0x3FA7] =	sst s7  }
0x10: {  	[smem:$0x3FA8] =	sst s8  }
0x11: {  	[smem:$0x3FA9] =	sst s9;
	s0 =	simm.s32 @!p0 $0x0  }
0x12: {  	s1 =	sld [smem:$0x3F8F];
	s0 =	simm.s32 @p0 $0x1  }
0x13: {  	[smem:$0x3FAA] =	sst s0;
	s0 =	simm.s32 @!p1 $0x0  }
0x14: {  	s2 =	sld [smem:$0x3F8E];
	s0 =	simm.s32 @p1 $0x1  }
0x15: {  	[smem:$0x3FAB] =	sst s0;
	s0 =	simm.s32 @!p2 $0x0  }
0x16: {  	s3 =	sld [smem:$0x3FDB];
	s0 =	simm.s32 @p2 $0x1  }
0x17: {  	s4 =	simm.s32 $0x1BF5;
	[smem:$0x3FAD] =	sst s0  }
0x18: {  	s0 =	sld [smem:$0x3F90];
	_ =	swait.ge [sflag:s4], $0x0  }
0x19: {  	s7 =	sld [smem:$0x3F91]  }
0x1a: {  	s8 =	sadd.s32 $0xFFFFE003, lr  }
0x1b: {  	s9 =	sadd.s32 $0xFFFFFEF7, lr;
	s5 =	simm.s32 $0xFFFFFFFF;
	p2 =	slt.u32 s8, $0xFFFFF086  }
0x1c: {  	p1 =	slt.u32 s9, $0xF7A;
	s5 =	simm.s32 @!p2 $0x0  }
0x1d: {  	s5 =	simm.s32 @p1 $0x1;
	p0 =	seq.s32 s7, s2  }
0x1e: {  	s7 =	smul.u32 @!p0 $0xF7A, s2;
	p2 =	seq.s32 @!p0 s5, $0x0  }
0x1f: {  	s9 =	smul.u32 $0xF7A, s1;
	s8 =	simm.s32 @!p0 $0x1BF5;
	p2 =	por !p2, p0  }
0x20: {  	[sflag:s8] =	ssyncset.s32 @!p0 $0xFFFFF086;
	s6 =	sadd.s32 @!p0 s3, s7;
	s7 =	simm.s32 @!p0 $0x108  }
0x21: {  	s3 =	sadd.s32 s3, s9;
	s6 =	sadd.s32 @!p0 $0x88, s6;
	s7 =	simm.s32 @p2 $0x1082  }
0x22: {  	[simem:s7], [sflag:s8] =	dma.local @!p0 [hbm:s6], $0xF7A  }
0x23: {  	s9 =	sor.u32 $0xD0000000, s2;
	s6 =	simm.s32 $0x108;
	_ =	swait.ge @!p0 [sflag:s8], $0x0  }
0x24: {  	s3 =	sadd.s32 $0x88, s3;
	s6 =	simm.s32 @!p1 $0x1082;
	[sflag:s4] =	ssyncset.s32 $0xFFFFF086  }
0x25: {  	[simem:s6], [sflag:s4] =	dma.local [hbm:s3], $0xF7A  }
0x26: {  	[smem:$0x3F91] =	sst s1;
	(tag) =	ssettag s2;
	_ =	strace s9  }
0x27: {  	s1 =	sld [smem:$0x3FA1]  }
0x28: {  	s2 =	sld [smem:$0x3FA2]  }
0x29: {  	s4 =	sld [smem:$0x3FA4]  }
0x2a: {  	p0 =	seq.s32 s5, $0x0;
	s5 =	sld [smem:$0x3FA5]  }
0x2b: {  	s6 =	sld [smem:$0x3FA6]  }
0x2c: {  	s7 =	sld [smem:$0x3FA7]  }
0x2d: {  	s3 =	simm.s32 $0x108;
	s8 =	sld [smem:$0x3FA8]  }
0x2e: {  	s3 =	simm.s32 @!p0 $0x1082;
	s9 =	sld [smem:$0x3FA9]  }
0x2f: {  	lr =	sadd.s32 s0, s3;
	s0 =	sld [smem:$0x3FA0]  }
0x30: {  	s3 =	sld [smem:$0x3FA3]  }
0x31: {  	[smem:$0x3FAC] =	sst s10  }
0x32: {  	s10 =	sld [smem:$0x3FAA];
	_ =	sdelay $0x3  }
0x33: {  	p0 =	seq.s32 s10, $0x1;
	s10 =	sld [smem:$0x3FAC];
	_ =	sdelay $0x3  }
0x34: {  	[smem:$0x3FAC] =	sst s10  }
0x35: {  	s10 =	sld [smem:$0x3FAB];
	_ =	sdelay $0x3  }
0x36: {  	p1 =	seq.s32 s10, $0x1;
	s10 =	sld [smem:$0x3FAC];
	_ =	sdelay $0x3  }
0x37: {  	[smem:$0x3FAC] =	sst s10  }
0x38: {  	s10 =	sld [smem:$0x3FAD]  }
0x39: {  	_ = 	snop;
	(pc) =	sbr.ind lr, $3  }
0x3a: {  	_ = 	snop  }
0x3b: {  	_ = 	snop  }
0x3c: {  	p2 =	seq.s32 s10, $0x1;
	s10 =	sld [smem:$0x3FAC]  }
0x3d: {  	_ =	shalt  }
0x3e: {  	_ =	shalt  }
0x3f: {  	_ =	shalt  }
0x40: {  	_ =	shalt  }
0x41: {  	_ =	shalt  }
0x42: {  	_ =	shalt  }
0x43: {  	_ =	shalt  }
0x44: {  	_ =	shalt  }
0x45: {  	_ =	shalt  }
0x46: {  	_ =	shalt  }
0x47: {  	_ =	shalt  }
0x48: {  	_ =	shalt  }
0x49: {  	_ =	shalt  }
0x4a: {  	_ =	shalt  }
0x4b: {  	_ =	shalt  }
0x4c: {  	_ =	shalt  }
0x4d: {  	_ =	shalt  }
0x4e: {  	_ =	shalt  }
0x4f: {  	_ =	shalt  }
0x50: {  	_ =	shalt  }
0x51: {  	_ =	shalt  }
0x52: {  	_ =	shalt  }
0x53: {  	_ =	shalt  }
0x54: {  	_ =	shalt  }
0x55: {  	_ =	shalt  }
0x56: {  	_ =	shalt  }
0x57: {  	_ =	shalt  }
0x58: {  	_ =	shalt  }
0x59: {  	_ =	shalt  }
0x5a: {  	_ =	shalt  }
0x5b: {  	_ =	shalt  }
0x5c: {  	_ =	shalt  }
0x5d: {  	_ =	shalt  }
0x5e: {  	_ =	shalt  }
0x5f: {  	_ =	shalt  }
0x60: {  	_ =	shalt  }
0x61: {  	_ =	shalt  }
0x62: {  	_ =	shalt  }
0x63: {  	_ =	shalt  }
0x64: {  	_ =	shalt  }
0x65: {  	_ =	shalt  }
0x66: {  	_ =	shalt  }
0x67: {  	_ =	shalt  }
0x68: {  	_ =	shalt  }
0x69: {  	_ =	shalt  }
0x6a: {  	_ =	shalt  }
0x6b: {  	_ =	shalt  }
0x6c: {  	_ =	shalt  }
0x6d: {  	_ =	shalt  }
0x6e: {  	_ =	shalt  }
0x6f: {  	_ =	shalt  }
0x70: {  	_ =	shalt  }
0x71: {  	_ =	shalt  }
0x72: {  	_ =	shalt  }
0x73: {  	_ =	shalt  }
0x74: {  	_ =	shalt  }
0x75: {  	_ =	shalt  }
0x76: {  	_ =	shalt  }
0x77: {  	_ =	shalt  }
0x78: {  	_ =	shalt  }
0x79: {  	_ =	shalt  }
0x7a: {  	_ =	shalt  }
0x7b: {  	_ =	shalt  }
0x7c: {  	_ =	shalt  }
0x7d: {  	_ =	shalt  }
0x7e: {  	_ =	shalt  }
0x7f: {  	_ =	shalt  }
0x80: {  	_ =	shalt  }
0x81: {  	_ =	shalt  }
0x82: {  	_ =	shalt  }
0x83: {  	_ =	shalt  }
0x84: {  	_ =	shalt  }
0x85: {  	_ =	shalt  }
0x86: {  	_ =	shalt  }
0x87: {  	_ =	shalt  }
.Lfunc_end0:
.L_simem_size_0:
called_computation.1_lowered:
.L_overlay_start_0:
0x88: {  	s2 =	sld [smem:$0x3FD9]  }
0x89: {  	s3 =	sld [smem:$0x3FFE];
	_ =	sdelay $0x1  }
0x8a: {  	s1 =	srdreg.scid  }
0x8b: {  	s0 =	sand.u32 $0x1, s1  }
0x8c: {  	s16 =	sshll.u32 s0, $0xA;
	s2 =	sadd.s32 s3, s2  }
0x8d: {  	s2 =	sadd.s32 s2, s16  }
0x8e: {  	[smem:$0x3FB8] =	sst s2  }
0x8f: {  	_ = 	snop  }
0x90: {  	(tm) =	ssettm $0x1  }
0x91: {  	s17 =	sld [smem:$0x3FFB];
	_ =	sdelay $0x3  }
0x92: {  	_ =	strace s17  }
0x93: {  	s2 =	sld [smem:$0x3FFC];
	_ =	sdelay $0x3  }
0x94: {  	_ =	strace s2  }
0x95: {  	s2 =	sld [smem:$0x3FFD];
	_ =	sdelay $0x3  }
0x96: {  	_ =	strace s2  }
0x97: {  	_ =	strace $0x8FFFFFFF  }
0x98: {  	s18 =	sld [smem:$0x3FDB];
	_ =	sdelay $0x1  }
0x99: {  	s19 =	simm.s32 $_scs_section_size  }
0x9a: {  	s4 =	simm.s32 $_size__tile_overlayer_lowered;
	s5 =	simm.s32 $_tile_overlayer_lowered  }
0x9b: {  	s22 =	simm.s32 $0x1BFF;
	s21 =	sshll.u32 s5, $0x1;
	s2 =	sadd.s32 s19, s18  }
0x9c: {  	s6 =	simm.s32 $0x0;
	s20 =	sshll.u32 s4, $0x1;
	s4 =	sadd.s32 s21, s2  }
0x9d: {  	[timem:s6], [sflag:s22] =	dma.local [hbm:s4], s20  }
0x9e: {  	_ =	swait.ge [sflag:s22], s20  }
0x9f: {  	s3 =	ssub.s32 $0x0, s20;
	[sflag:s22] =	ssyncset.done $0x0  }
0xa0: {  	[sflag:s22] =	ssyncadd.s32 s3;
	_ =	sdelay $0x1  }
0xa1: {  	s23 =	simm.s32 $0x1B8B  }
0xa2: {  	_ =	swait.ge [sflag:s23], $0x1  }
0xa3: {  	[sflag:s23] =	ssyncset.done $0x0  }
0xa4: {  	s25 =	simm.s32 $0x1B8E;
	s24 =	sld [smem:$0x3FFE];
	[sflag:s23] =	ssyncadd.s32 $0xFFFFFFFF  }
0xa5: {  	s26 =	simm.s32 $execute0_lowered;
	[smem:$0x3FD2] =	sst s25  }
0xa6: {  	s4 =	sshll.u32 s26, $0x1;
	_ =	strace $0x80000049;
	[dreg:$0x1] =	wrdreg $0xFFFFFFFF  }
0xa7: {  	s28 =	simm.s32 $_size_execute0_lowered;
	s2 =	sadd.s32 s2, s4;
	[dreg:$0x0] =	wrdreg $0x0  }
0xa8: {  	s4 =	sshll.u32 s28, $0x1;
	[dreg:$0x2] =	wrdreg s2  }
0xa9: {  	[dreg:$0x3] =	wrdreg s4  }
0xaa: {  	[dreg:$0x4] =	wrdreg $0xC0  }
0xab: {  	_ =	task [dreg:s6], $0x5FFFF  }
0xac: {  	[dreg:$0x1] =	wrdreg $0xFFFFFFFF  }
0xad: {  	[dreg:$0x0] =	wrdreg $0x60  }
0xae: {  	[dreg:$0x2] =	wrdreg s24  }
0xaf: {  	[dreg:$0x3] =	wrdreg $0x90000  }
0xb0: {  	[dreg:$0x4] =	wrdreg $0x9  }
0xb1: {  	_ =	task.clear_ibuf [dreg:s6], $0x5FFFF;
	_ =	strace $0x90000049  }
0xb2: {  	s29 =	simm.s32 $0x9;
	_ =	strace $0x8000004B  }
0xb3: {  	_ =	swait.ge [sflag:s29], $0x1  }
0xb4: {  	[sflag:s29] =	ssyncadd.s32 $0xFFFFFFFF  }
0xb5: {  	_ =	strace $0x9000004B  }
0xb6: {  	_ =	sfence  }
0xb7: {  	s30 =	sld [smem:$0x0];
	_ =	sdelay $0x2  }
0xb8: {  	s31 =	sshll.u32 s1, $0xD;
	s1 =	sshrl.u32 s1, $0x2  }
0xb9: {  	s3 =	sand.u32 $0x4000, s31;
	s1 =	sadd.s32 s1, s30  }
0xba: {  	s0 =	sor.u32 s3, s0;
	s1 =	sshll.u32 s1, $0x11  }
0xbb: {  	s0 =	sor.u32 s1, s0  }
0xbc: {  	s0 =	sadd.s32 $0x8F2B, s0  }
0xbd: {  	[sflag:s0] =	ssyncadd.remote.s32 $0x1  }
0xbe: {  	_ =	sfence.sel $0xFFFF  }
0xbf: {  	[dreg:$0x0] =	wrdreg $0xFFFFFFFF;
	(pc) =	sbr.abs _section_cstart, $3  }
0xc0: {  	[dreg:$0x1] =	wrdreg $0xFFFFFFFF  }
0xc1: {  	_ =	task.clear_ibuf [dreg:s6], $0x2FFFF;
	_ =	strace $0x9FFFFFFF  }
0xc2: {  	(tm) =	ssettm $0x7FFFFFFF  }
0xc3: {  	_ =	shalt  }
tec
execute0_lowered:
.L_overlay_start_1:
0x0: {  	(tag) =	ssettag $0x1  }
0x1: {  	s1 =	srdreg.scid  }
0x2: {  	s0 =	stileid.u32;
	s7 =	rddreg [dreg:$0x0]  }
0x3: {  	s2 =	rddreg [dreg:$0x1];
	s3 =	simm.s32 $0x0;
	s14 =	simm.s32 $0x80  }
0x4: {  	s15 =	simm.s32 $0x5000;
	s16 =	simm.s32 $0x1;
	s17 =	simm.s32 $0x0  }
0x5: {  	s6 =	sand.u32 $0x1, s1;
	s26 =	sshll.u32 s0, $0x1;
	s9 =	smul.u32 $0x14000, s0  }
0x6: {  	[smem:$0x7FF] =	sst s3;
	s4 =	sadd.s32 $0x12E00, s7;
	s28 =	smul.u32 $0x50000, s0  }
0x7: {  	s31 =	sshll.u32 s0, $0x6;
	s1 =	sor.u32 s6, s26;
	s8 =	smul.u32 $0x140000, s6  }
0x8: {  	s6 =	ssub.s32 $0x2, s6;
	s5 =	smul.u32 $0x500, s1;
	s1 =	rddreg [dreg:$0x2]  }
0x9: {  	_ =	strace $0x8000004A;
	s29 =	sshrl.u32 s6, $0x1;
	s30 =	sshrl.u32 s28, $0x2  }
0xa: {  	s8 =	sadd.s32 s9, s8;
	s12 =	ssub.s32 s6, s29;
	s13 =	sadd.s32 s30, s2  }
0xb: {  	s6 =	sor.u32 $0x1C02, s31;
	s10 =	sadd.s32 s5, s7;
	s8 =	sshrl.u32 s8, $0x3  }
0xc: {  	s5 =	sadd.s32 $0x10600, s7;
	s11 =	sadd.s32 s8, s7;
	s7 =	sadd.s32 $0x63600, s10  }
0xd: {  	s8 =	sadd.s32 $0x6600, s10;
	s10 =	smax.u32 s12, $0x1;
	s12 =	simm.s32 $0x2  }
0xe: {  	s9 =	sadd.s32 $0x6D600, s11;
	s11 =	sshrl.u32 s13, $0x3;
	s13 =	simm.s32 $0x2800  }
.LBB2_1:
0xf: {  	[spmem:s11], [sflag:s6] =	dma.local [hbm:s5], $0x2800  }
0x10: {  	_ =	swait.ge [sflag:s12], $0x2800  }
0x11: {  	[sflag:s12] =	ssyncset.done $0x0  }
0x12: {  	[sflag:s12] =	ssyncadd.s32 $0xFFFFD800  }
0x13: {  	[tilespmem:s3], [sflag:$0x2] =	stream.linear.gather [hbm4b:s7+s3], $0x2800, $0x38;
	[tilespmem:$0x1D000] =	vst v63  }
0x14: {  	_ =	swait.ge [sflag:s12], $0x2800  }
0x15: {  	[sflag:s12] =	ssyncset.done $0x0  }
0x16: {  	[sflag:s12] =	ssyncadd.s32 $0xFFFFD800  }
0x17: {  	[tilespmem:s13], [sflag:$0x2] =	stream.linear.gather [hbm4b:s8+s3], $0x2800, $0x38;
	[tilespmem:$0x1D000] =	vst v63  }
0x18: {  	_ =	swait.ge [sflag:s12], $0x2800  }
0x19: {  	[sflag:s12] =	ssyncset.done $0x0  }
0x1a: {  	[sflag:s12] =	ssyncadd.s32 $0xFFFFD800  }
0x1b: {  	s18 =	simm.s32 $0x0;
	[bflag:$0x0] =	sbarrier.arrive $0xFFFF  }
0x1c: {  	[tilespmem:s15], [sflag:$0x1] =	stream.indirect.gather [hbm4b:s4+s14], $0x80, s18, s14, $0xb8;
	[tilespmem:$0x1D000] =	vst v63  }
0x1d: {  	_ =	swait.ge [sflag:s16], $0x4000  }
0x1e: {  	[sflag:s16] =	ssyncset.done $0x0  }
0x1f: {  	s31 =	simm.s32 $0x2800;
	[sflag:s16] =	ssyncadd.s32 $0xFFFFC000  }
0x20: {  	[spmem:s2] =	stream.indirect.scatter.add.f32 [tilespmem:s15], [sflag:$0x2], $0x80, s31, s14, $0xb8;
	[tilespmem:$0x1D000] =	vst v63  }
0x21: {  	_ =	swait.ge [sflag:s12], $0x4000  }
0x22: {  	s19 =	simm.s32 $0x400;
	s18 =	simm.s32 $0x200;
	[sflag:s12] =	ssyncset.done $0x0  }
.LBB2_2:
0x23: {  	s20 =	sshra.s32 s18, $0x2  }
0x24: {  	[sflag:s12] =	ssyncadd.s32 $0xFFFFC000;
	s18 =	smov.u32 s19;
	s21 =	sadd.s32 $0x200, s19  }
0x25: {  	[tilespmem:s15], [sflag:$0x1] =	stream.indirect.gather [hbm4b:s4+s14], $0x80, s20, s14, $0xb8;
	[tilespmem:$0x1D000] =	vst v63  }
0x26: {  	p0 =	sne.s32 s19, $0x9E00;
	_ =	swait.ge [sflag:s16], $0x4000  }
.Ltmp0:
0x27: {  	[sflag:s16] =	ssyncset.done $0x0;
	(pc) =	sbr.rel @p0 .LBB2_2-.Ltmp0, $4  }
0x28: {  	s19 =	sadd.s32 $0x2800, s20;
	[sflag:s16] =	ssyncadd.s32 $0xFFFFC000  }
0x29: {  	[spmem:s2] =	stream.indirect.scatter.add.f32 [tilespmem:s15], [sflag:$0x2], $0x80, s19, s14, $0xb8;
	[tilespmem:$0x1D000] =	vst v63  }
0x2a: {  	_ =	swait.ge [sflag:s12], $0x4000  }
0x2b: {  	s19 =	smov.u32 s21;
	[sflag:s12] =	ssyncset.done $0x0  }
0x2c: {  	s18 =	sshra.s32 s18, $0x2;
	[sflag:s12] =	ssyncadd.s32 $0xFFFFC000  }
0x2d: {  	[tilespmem:s15], [sflag:$0x1] =	stream.indirect.gather [hbm4b:s4+s14], $0x80, s18, s14, $0xb8;
	[tilespmem:$0x1D000] =	vst v63  }
0x2e: {  	_ =	swait.ge [sflag:s16], $0x4000  }
0x2f: {  	[sflag:s16] =	ssyncset.done $0x0  }
0x30: {  	s18 =	sadd.s32 $0x2800, s18;
	[sflag:s16] =	ssyncadd.s32 $0xFFFFC000  }
0x31: {  	[spmem:s2] =	stream.indirect.scatter.add.f32 [tilespmem:s15], [sflag:$0x2], $0x80, s18, s14, $0xb8;
	[tilespmem:$0x1D000] =	vst v63  }
0x32: {  	_ =	swait.ge [sflag:s12], $0x4000  }
0x33: {  	s17 =	sadd.s32 $0x1, s17;
	[sflag:s12] =	ssyncset.done $0x0  }
0x34: {  	p0 =	sne.s32 s17, s10;
	[sflag:s12] =	ssyncadd.s32 $0xFFFFC000  }
.Ltmp1:
0x35: {  	[bflag:$0x0] =	sbarrier.arrive $0xFFFF;
	(pc) =	sbr.rel @p0 .LBB2_1-.Ltmp1, $4  }
0x36: {  	[hbm:s9], [sflag:s6] =	dma.local [spmem:s11], $0x2800  }
0x37: {  	_ =	swait.ge [sflag:s12], $0x2800  }
0x38: {  	[sflag:s12] =	ssyncset.done $0x0  }
0x39: {  	[sflag:s12] =	ssyncadd.s32 $0xFFFFD800  }
0x3a: {  	_ =	sfence.sel $0x180000  }
0x3b: {  	[bflag:$0x0] =	sbarrier.arrive $0xFFFF  }
0x3c: {  	p0 =	sne.s32 s0, $0x0;
	_ =	strace $0x9000004A  }
0x3d: {  	s0 =	sadd.s32 @!p0 $0x100000, s1;
	[bflag:$0x2] =	sbarrier.arrive $0xFFFF  }
0x3e: {  	[sflag:s0] =	ssyncadd.tile.s32 @!p0 $0x1;
	_ =	shalt  }
.Lfunc_end2:
_tile_overlayer_lowered:
.L_overlay_start_2:
0x3f: {  	(tag) =	ssettag $0x2  }
0x40: {  	s0 =	rddreg [dreg:$0x0];
	s2 =	stileid.u32  }
0x41: {  	s1 =	rddreg [dreg:$0x1];
	p0 =	sne.s32 s2, $0x0  }
0x42: {  	s3 =	rddreg [dreg:$0x2];
	[bflag:$0x3] =	sbarrier.arrive $0xFFFF;
	s2 =	simm.s32 @!p0 $0x1C02  }
0x43: {  	[timem:s3], [sflag:s2] =	dma.local @!p0 [hbm:s0], s1  }
0x44: {  	s0 =	simm.s32 @!p0 $0x2  }
0x45: {  	_ =	swait.ge @!p0 [sflag:s0], s1  }
0x46: {  	s1 =	ssub.s32 @!p0 $0x0, s1;
	[sflag:s0] =	ssyncset.done @!p0 $0x0  }
0x47: {  	[sflag:s0] =	ssyncadd.s32 @!p0 s1  }
0x48: {  	[bflag:$0x3] =	sbarrier.arrive $0xFFFF  }
0x49: {  	_ =	shalt  }

// kernel: kernel.17.cloned.1.call-start
scs
__scs_entry_jumppad:
0x0: {  	(pc) =	sbr.rel $0x88, $3  }
0x1: {  	(tag) =	ssettag $0x0;
	lr =	simm.s32 $0x1  }
0x2: {  	[smem:$0x3F91] =	sst lr;
	_ =	strace $0xD0000000  }
0x3: {  	_ = 	snop  }
0x4: {  	_ = 	snop  }
0x5: {  	_ = 	snop  }
0x6: {  	_ = 	snop  }
0x7: {  	_ = 	snop  }
__scs_overlays_trampoline_lowered:
0x8: {  	[smem:$0x3FA0] =	sst s0  }
0x9: {  	[smem:$0x3FA1] =	sst s1  }
0xa: {  	[smem:$0x3FA2] =	sst s2  }
0xb: {  	[smem:$0x3FA3] =	sst s3  }
0xc: {  	[smem:$0x3FA4] =	sst s4  }
0xd: {  	[smem:$0x3FA5] =	sst s5  }
0xe: {  	[smem:$0x3FA6] =	sst s6  }
0xf: {  	[smem:$0x3FA7] =	sst s7  }
0x10: {  	[smem:$0x3FA8] =	sst s8  }
0x11: {  	[smem:$0x3FA9] =	sst s9;
	s0 =	simm.s32 @!p0 $0x0  }
0x12: {  	s1 =	sld [smem:$0x3F8F];
	s0 =	simm.s32 @p0 $0x1  }
0x13: {  	[smem:$0x3FAA] =	sst s0;
	s0 =	simm.s32 @!p1 $0x0  }
0x14: {  	s2 =	sld [smem:$0x3F8E];
	s0 =	simm.s32 @p1 $0x1  }
0x15: {  	[smem:$0x3FAB] =	sst s0;
	s0 =	simm.s32 @!p2 $0x0  }
0x16: {  	s3 =	sld [smem:$0x3FDB];
	s0 =	simm.s32 @p2 $0x1  }
0x17: {  	s4 =	simm.s32 $0x1BF5;
	[smem:$0x3FAD] =	sst s0  }
0x18: {  	s0 =	sld [smem:$0x3F90];
	_ =	swait.ge [sflag:s4], $0x0  }
0x19: {  	s7 =	sld [smem:$0x3F91]  }
0x1a: {  	s8 =	sadd.s32 $0xFFFFE003, lr  }
0x1b: {  	s9 =	sadd.s32 $0xFFFFFEF7, lr;
	s5 =	simm.s32 $0xFFFFFFFF;
	p2 =	slt.u32 s8, $0xFFFFF086  }
0x1c: {  	p1 =	slt.u32 s9, $0xF7A;
	s5 =	simm.s32 @!p2 $0x0  }
0x1d: {  	s5 =	simm.s32 @p1 $0x1;
	p0 =	seq.s32 s7, s2  }
0x1e: {  	s7 =	smul.u32 @!p0 $0xF7A, s2;
	p2 =	seq.s32 @!p0 s5, $0x0  }
0x1f: {  	s9 =	smul.u32 $0xF7A, s1;
	s8 =	simm.s32 @!p0 $0x1BF5;
	p2 =	por !p2, p0  }
0x20: {  	[sflag:s8] =	ssyncset.s32 @!p0 $0xFFFFF086;
	s6 =	sadd.s32 @!p0 s3, s7;
	s7 =	simm.s32 @!p0 $0x108  }
0x21: {  	s3 =	sadd.s32 s3, s9;
	s6 =	sadd.s32 @!p0 $0x88, s6;
	s7 =	simm.s32 @p2 $0x1082  }
0x22: {  	[simem:s7], [sflag:s8] =	dma.local @!p0 [hbm:s6], $0xF7A  }
0x23: {  	s9 =	sor.u32 $0xD0000000, s2;
	s6 =	simm.s32 $0x108;
	_ =	swait.ge @!p0 [sflag:s8], $0x0  }
0x24: {  	s3 =	sadd.s32 $0x88, s3;
	s6 =	simm.s32 @!p1 $0x1082;
	[sflag:s4] =	ssyncset.s32 $0xFFFFF086  }
0x25: {  	[simem:s6], [sflag:s4] =	dma.local [hbm:s3], $0xF7A  }
0x26: {  	[smem:$0x3F91] =	sst s1;
	(tag) =	ssettag s2;
	_ =	strace s9  }
0x27: {  	s1 =	sld [smem:$0x3FA1]  }
0x28: {  	s2 =	sld [smem:$0x3FA2]  }
0x29: {  	s4 =	sld [smem:$0x3FA4]  }
0x2a: {  	p0 =	seq.s32 s5, $0x0;
	s5 =	sld [smem:$0x3FA5]  }
0x2b: {  	s6 =	sld [smem:$0x3FA6]  }
0x2c: {  	s7 =	sld [smem:$0x3FA7]  }
0x2d: {  	s3 =	simm.s32 $0x108;
	s8 =	sld [smem:$0x3FA8]  }
0x2e: {  	s3 =	simm.s32 @!p0 $0x1082;
	s9 =	sld [smem:$0x3FA9]  }
0x2f: {  	lr =	sadd.s32 s0, s3;
	s0 =	sld [smem:$0x3FA0]  }
0x30: {  	s3 =	sld [smem:$0x3FA3]  }
0x31: {  	[smem:$0x3FAC] =	sst s10  }
0x32: {  	s10 =	sld [smem:$0x3FAA];
	_ =	sdelay $0x3  }
0x33: {  	p0 =	seq.s32 s10, $0x1;
	s10 =	sld [smem:$0x3FAC];
	_ =	sdelay $0x3  }
0x34: {  	[smem:$0x3FAC] =	sst s10  }
0x35: {  	s10 =	sld [smem:$0x3FAB];
	_ =	sdelay $0x3  }
0x36: {  	p1 =	seq.s32 s10, $0x1;
	s10 =	sld [smem:$0x3FAC];
	_ =	sdelay $0x3  }
0x37: {  	[smem:$0x3FAC] =	sst s10  }
0x38: {  	s10 =	sld [smem:$0x3FAD]  }
0x39: {  	_ = 	snop;
	(pc) =	sbr.ind lr, $3  }
0x3a: {  	_ = 	snop  }
0x3b: {  	_ = 	snop  }
0x3c: {  	p2 =	seq.s32 s10, $0x1;
	s10 =	sld [smem:$0x3FAC]  }
0x3d: {  	_ =	shalt  }
0x3e: {  	_ =	shalt  }
0x3f: {  	_ =	shalt  }
0x40: {  	_ =	shalt  }
0x41: {  	_ =	shalt  }
0x42: {  	_ =	shalt  }
0x43: {  	_ =	shalt  }
0x44: {  	_ =	shalt  }
0x45: {  	_ =	shalt  }
0x46: {  	_ =	shalt  }
0x47: {  	_ =	shalt  }
0x48: {  	_ =	shalt  }
0x49: {  	_ =	shalt  }
0x4a: {  	_ =	shalt  }
0x4b: {  	_ =	shalt  }
0x4c: {  	_ =	shalt  }
0x4d: {  	_ =	shalt  }
0x4e: {  	_ =	shalt  }
0x4f: {  	_ =	shalt  }
0x50: {  	_ =	shalt  }
0x51: {  	_ =	shalt  }
0x52: {  	_ =	shalt  }
0x53: {  	_ =	shalt  }
0x54: {  	_ =	shalt  }
0x55: {  	_ =	shalt  }
0x56: {  	_ =	shalt  }
0x57: {  	_ =	shalt  }
0x58: {  	_ =	shalt  }
0x59: {  	_ =	shalt  }
0x5a: {  	_ =	shalt  }
0x5b: {  	_ =	shalt  }
0x5c: {  	_ =	shalt  }
0x5d: {  	_ =	shalt  }
0x5e: {  	_ =	shalt  }
0x5f: {  	_ =	shalt  }
0x60: {  	_ =	shalt  }
0x61: {  	_ =	shalt  }
0x62: {  	_ =	shalt  }
0x63: {  	_ =	shalt  }
0x64: {  	_ =	shalt  }
0x65: {  	_ =	shalt  }
0x66: {  	_ =	shalt  }
0x67: {  	_ =	shalt  }
0x68: {  	_ =	shalt  }
0x69: {  	_ =	shalt  }
0x6a: {  	_ =	shalt  }
0x6b: {  	_ =	shalt  }
0x6c: {  	_ =	shalt  }
0x6d: {  	_ =	shalt  }
0x6e: {  	_ =	shalt  }
0x6f: {  	_ =	shalt  }
0x70: {  	_ =	shalt  }
0x71: {  	_ =	shalt  }
0x72: {  	_ =	shalt  }
0x73: {  	_ =	shalt  }
0x74: {  	_ =	shalt  }
0x75: {  	_ =	shalt  }
0x76: {  	_ =	shalt  }
0x77: {  	_ =	shalt  }
0x78: {  	_ =	shalt  }
0x79: {  	_ =	shalt  }
0x7a: {  	_ =	shalt  }
0x7b: {  	_ =	shalt  }
0x7c: {  	_ =	shalt  }
0x7d: {  	_ =	shalt  }
0x7e: {  	_ =	shalt  }
0x7f: {  	_ =	shalt  }
0x80: {  	_ =	shalt  }
0x81: {  	_ =	shalt  }
0x82: {  	_ =	shalt  }
0x83: {  	_ =	shalt  }
0x84: {  	_ =	shalt  }
0x85: {  	_ =	shalt  }
0x86: {  	_ =	shalt  }
0x87: {  	_ =	shalt  }
.Lfunc_end0:
.L_simem_size_0:
called_computation.2_lowered:
.L_overlay_start_0:
0x88: {  	s2 =	sld [smem:$0x3FD9]  }
0x89: {  	s3 =	sld [smem:$0x3FFE];
	_ =	sdelay $0x1  }
0x8a: {  	s1 =	srdreg.scid  }
0x8b: {  	s0 =	sand.u32 $0x1, s1  }
0x8c: {  	s16 =	sshll.u32 s0, $0xA;
	s2 =	sadd.s32 s3, s2  }
0x8d: {  	s2 =	sadd.s32 s2, s16  }
0x8e: {  	[smem:$0x3FB8] =	sst s2  }
0x8f: {  	_ = 	snop  }
0x90: {  	(tm) =	ssettm $0x1  }
0x91: {  	s17 =	sld [smem:$0x3FFB];
	_ =	sdelay $0x3  }
0x92: {  	_ =	strace s17  }
0x93: {  	s2 =	sld [smem:$0x3FFC];
	_ =	sdelay $0x3  }
0x94: {  	_ =	strace s2  }
0x95: {  	s2 =	sld [smem:$0x3FFD];
	_ =	sdelay $0x3  }
0x96: {  	_ =	strace s2  }
0x97: {  	_ =	strace $0x8FFFFFFF  }
0x98: {  	s18 =	sld [smem:$0x3FDB];
	_ =	sdelay $0x1  }
0x99: {  	s19 =	simm.s32 $_scs_section_size  }
0x9a: {  	s4 =	simm.s32 $_size__tile_overlayer_lowered;
	s5 =	simm.s32 $_tile_overlayer_lowered  }
0x9b: {  	s22 =	simm.s32 $0x1BFF;
	s21 =	sshll.u32 s5, $0x1;
	s2 =	sadd.s32 s19, s18  }
0x9c: {  	s6 =	simm.s32 $0x0;
	s20 =	sshll.u32 s4, $0x1;
	s4 =	sadd.s32 s21, s2  }
0x9d: {  	[timem:s6], [sflag:s22] =	dma.local [hbm:s4], s20  }
0x9e: {  	_ =	swait.ge [sflag:s22], s20  }
0x9f: {  	s3 =	ssub.s32 $0x0, s20;
	[sflag:s22] =	ssyncset.done $0x0  }
0xa0: {  	[sflag:s22] =	ssyncadd.s32 s3;
	_ =	sdelay $0x1  }
0xa1: {  	s23 =	simm.s32 $0x1B8B  }
0xa2: {  	_ =	swait.ge [sflag:s23], $0x1  }
0xa3: {  	[sflag:s23] =	ssyncset.done $0x0  }
0xa4: {  	s25 =	simm.s32 $0x1B8E;
	s24 =	sld [smem:$0x3FFE];
	[sflag:s23] =	ssyncadd.s32 $0xFFFFFFFF  }
0xa5: {  	s26 =	simm.s32 $execute0_lowered;
	[smem:$0x3FD2] =	sst s25  }
0xa6: {  	s4 =	sshll.u32 s26, $0x1;
	_ =	strace $0x8000004C;
	[dreg:$0x1] =	wrdreg $0xFFFFFFFF  }
0xa7: {  	s28 =	simm.s32 $_size_execute0_lowered;
	s2 =	sadd.s32 s2, s4;
	[dreg:$0x0] =	wrdreg $0x0  }
0xa8: {  	s4 =	sshll.u32 s28, $0x1;
	[dreg:$0x2] =	wrdreg s2  }
0xa9: {  	[dreg:$0x3] =	wrdreg s4  }
0xaa: {  	[dreg:$0x4] =	wrdreg $0xC0  }
0xab: {  	_ =	task [dreg:s6], $0x5FFFF  }
0xac: {  	[dreg:$0x1] =	wrdreg $0xFFFFFFFF  }
0xad: {  	[dreg:$0x0] =	wrdreg $0x60  }
0xae: {  	[dreg:$0x2] =	wrdreg s24  }
0xaf: {  	[dreg:$0x3] =	wrdreg $0x90000  }
0xb0: {  	[dreg:$0x4] =	wrdreg $0x9  }
0xb1: {  	_ =	task.clear_ibuf [dreg:s6], $0x5FFFF;
	_ =	strace $0x9000004C  }
0xb2: {  	s29 =	simm.s32 $0x9;
	_ =	strace $0x8000004E  }
0xb3: {  	_ =	swait.ge [sflag:s29], $0x1  }
0xb4: {  	[sflag:s29] =	ssyncadd.s32 $0xFFFFFFFF  }
0xb5: {  	_ =	strace $0x9000004E  }
0xb6: {  	_ =	sfence  }
0xb7: {  	s30 =	sld [smem:$0x0];
	_ =	sdelay $0x2  }
0xb8: {  	s31 =	sshll.u32 s1, $0xD;
	s1 =	sshrl.u32 s1, $0x2  }
0xb9: {  	s3 =	sand.u32 $0x4000, s31;
	s1 =	sadd.s32 s1, s30  }
0xba: {  	s0 =	sor.u32 s3, s0;
	s1 =	sshll.u32 s1, $0x11  }
0xbb: {  	s0 =	sor.u32 s1, s0  }
0xbc: {  	s0 =	sadd.s32 $0x8F2B, s0  }
0xbd: {  	[sflag:s0] =	ssyncadd.remote.s32 $0x1  }
0xbe: {  	_ =	sfence.sel $0xFFFF  }
0xbf: {  	[dreg:$0x0] =	wrdreg $0xFFFFFFFF;
	(pc) =	sbr.abs _section_cstart, $3  }
0xc0: {  	[dreg:$0x1] =	wrdreg $0xFFFFFFFF  }
0xc1: {  	_ =	task.clear_ibuf [dreg:s6], $0x2FFFF;
	_ =	strace $0x9FFFFFFF  }
0xc2: {  	(tm) =	ssettm $0x7FFFFFFF  }
0xc3: {  	_ =	shalt  }
tec
execute0_lowered:
.L_overlay_start_1:
0x0: {  	(tag) =	ssettag $0x1  }
0x1: {  	s1 =	srdreg.scid  }
0x2: {  	s0 =	stileid.u32;
	s7 =	rddreg [dreg:$0x0]  }
0x3: {  	s2 =	rddreg [dreg:$0x1];
	s3 =	simm.s32 $0x0;
	s14 =	simm.s32 $0x80  }
0x4: {  	s15 =	simm.s32 $0x5000;
	s16 =	simm.s32 $0x1;
	s17 =	simm.s32 $0x0  }
0x5: {  	s6 =	sand.u32 $0x1, s1;
	s26 =	sshll.u32 s0, $0x1;
	s9 =	smul.u32 $0x14000, s0  }
0x6: {  	[smem:$0x7FF] =	sst s3;
	s4 =	sadd.s32 $0x12E00, s7;
	s28 =	smul.u32 $0x50000, s0  }
0x7: {  	s31 =	sshll.u32 s0, $0x6;
	s1 =	sor.u32 s6, s26;
	s8 =	smul.u32 $0x140000, s6  }
0x8: {  	s6 =	ssub.s32 $0x2, s6;
	s5 =	smul.u32 $0x500, s1;
	s1 =	rddreg [dreg:$0x2]  }
0x9: {  	_ =	strace $0x8000004D;
	s29 =	sshrl.u32 s6, $0x1;
	s30 =	sshrl.u32 s28, $0x2  }
0xa: {  	s8 =	sadd.s32 s9, s8;
	s12 =	ssub.s32 s6, s29;
	s13 =	sadd.s32 s30, s2  }
0xb: {  	s6 =	sor.u32 $0x1C02, s31;
	s10 =	sadd.s32 s5, s7;
	s8 =	sshrl.u32 s8, $0x3  }
0xc: {  	s5 =	sadd.s32 $0x10600, s7;
	s11 =	sadd.s32 s8, s7;
	s7 =	sadd.s32 $0x63600, s10  }
0xd: {  	s8 =	sadd.s32 $0x6600, s10;
	s10 =	smax.u32 s12, $0x1;
	s12 =	simm.s32 $0x2  }
0xe: {  	s9 =	sadd.s32 $0x6D600, s11;
	s11 =	sshrl.u32 s13, $0x3;
	s13 =	simm.s32 $0x2800  }
.LBB2_1:
0xf: {  	[spmem:s11], [sflag:s6] =	dma.local [hbm:s5], $0x2800  }
0x10: {  	_ =	swait.ge [sflag:s12], $0x2800  }
0x11: {  	[sflag:s12] =	ssyncset.done $0x0  }
0x12: {  	[sflag:s12] =	ssyncadd.s32 $0xFFFFD800  }
0x13: {  	[tilespmem:s3], [sflag:$0x2] =	stream.linear.gather [hbm4b:s7+s3], $0x2800, $0x38;
	[tilespmem:$0x1D000] =	vst v63  }
0x14: {  	_ =	swait.ge [sflag:s12], $0x2800  }
0x15: {  	[sflag:s12] =	ssyncset.done $0x0  }
0x16: {  	[sflag:s12] =	ssyncadd.s32 $0xFFFFD800  }
0x17: {  	[tilespmem:s13], [sflag:$0x2] =	stream.linear.gather [hbm4b:s8+s3], $0x2800, $0x38;
	[tilespmem:$0x1D000] =	vst v63  }
0x18: {  	_ =	swait.ge [sflag:s12], $0x2800  }
0x19: {  	[sflag:s12] =	ssyncset.done $0x0  }
0x1a: {  	[sflag:s12] =	ssyncadd.s32 $0xFFFFD800  }
0x1b: {  	s18 =	simm.s32 $0x0;
	[bflag:$0x0] =	sbarrier.arrive $0xFFFF  }
0x1c: {  	[tilespmem:s15], [sflag:$0x1] =	stream.indirect.gather [hbm4b:s4+s14], $0x80, s18, s14, $0xb8;
	[tilespmem:$0x1D000] =	vst v63  }
0x1d: {  	_ =	swait.ge [sflag:s16], $0x4000  }
0x1e: {  	[sflag:s16] =	ssyncset.done $0x0  }
0x1f: {  	s31 =	simm.s32 $0x2800;
	[sflag:s16] =	ssyncadd.s32 $0xFFFFC000  }
0x20: {  	[spmem:s2] =	stream.indirect.scatter.add.f32 [tilespmem:s15], [sflag:$0x2], $0x80, s31, s14, $0xb8;
	[tilespmem:$0x1D000] =	vst v63  }
0x21: {  	_ =	swait.ge [sflag:s12], $0x4000  }
0x22: {  	s19 =	simm.s32 $0x400;
	s18 =	simm.s32 $0x200;
	[sflag:s12] =	ssyncset.done $0x0  }
.LBB2_2:
0x23: {  	s20 =	sshra.s32 s18, $0x2  }
0x24: {  	[sflag:s12] =	ssyncadd.s32 $0xFFFFC000;
	s18 =	smov.u32 s19;
	s21 =	sadd.s32 $0x200, s19  }
0x25: {  	[tilespmem:s15], [sflag:$0x1] =	stream.indirect.gather [hbm4b:s4+s14], $0x80, s20, s14, $0xb8;
	[tilespmem:$0x1D000] =	vst v63  }
0x26: {  	p0 =	sne.s32 s19, $0x9E00;
	_ =	swait.ge [sflag:s16], $0x4000  }
.Ltmp0:
0x27: {  	[sflag:s16] =	ssyncset.done $0x0;
	(pc) =	sbr.rel @p0 .LBB2_2-.Ltmp0, $4  }
0x28: {  	s19 =	sadd.s32 $0x2800, s20;
	[sflag:s16] =	ssyncadd.s32 $0xFFFFC000  }
0x29: {  	[spmem:s2] =	stream.indirect.scatter.add.f32 [tilespmem:s15], [sflag:$0x2], $0x80, s19, s14, $0xb8;
	[tilespmem:$0x1D000] =	vst v63  }
0x2a: {  	_ =	swait.ge [sflag:s12], $0x4000  }
0x2b: {  	s19 =	smov.u32 s21;
	[sflag:s12] =	ssyncset.done $0x0  }
0x2c: {  	s18 =	sshra.s32 s18, $0x2;
	[sflag:s12] =	ssyncadd.s32 $0xFFFFC000  }
0x2d: {  	[tilespmem:s15], [sflag:$0x1] =	stream.indirect.gather [hbm4b:s4+s14], $0x80, s18, s14, $0xb8;
	[tilespmem:$0x1D000] =	vst v63  }
0x2e: {  	_ =	swait.ge [sflag:s16], $0x4000  }
0x2f: {  	[sflag:s16] =	ssyncset.done $0x0  }
0x30: {  	s18 =	sadd.s32 $0x2800, s18;
	[sflag:s16] =	ssyncadd.s32 $0xFFFFC000  }
0x31: {  	[spmem:s2] =	stream.indirect.scatter.add.f32 [tilespmem:s15], [sflag:$0x2], $0x80, s18, s14, $0xb8;
	[tilespmem:$0x1D000] =	vst v63  }
0x32: {  	_ =	swait.ge [sflag:s12], $0x4000  }
0x33: {  	s17 =	sadd.s32 $0x1, s17;
	[sflag:s12] =	ssyncset.done $0x0  }
0x34: {  	p0 =	sne.s32 s17, s10;
	[sflag:s12] =	ssyncadd.s32 $0xFFFFC000  }
.Ltmp1:
0x35: {  	[bflag:$0x0] =	sbarrier.arrive $0xFFFF;
	(pc) =	sbr.rel @p0 .LBB2_1-.Ltmp1, $4  }
0x36: {  	[hbm:s9], [sflag:s6] =	dma.local [spmem:s11], $0x2800  }
0x37: {  	_ =	swait.ge [sflag:s12], $0x2800  }
0x38: {  	[sflag:s12] =	ssyncset.done $0x0  }
0x39: {  	[sflag:s12] =	ssyncadd.s32 $0xFFFFD800  }
0x3a: {  	_ =	sfence.sel $0x180000  }
0x3b: {  	[bflag:$0x0] =	sbarrier.arrive $0xFFFF  }
0x3c: {  	p0 =	sne.s32 s0, $0x0;
	_ =	strace $0x9000004D  }
0x3d: {  	s0 =	sadd.s32 @!p0 $0x100000, s1;
	[bflag:$0x2] =	sbarrier.arrive $0xFFFF  }
0x3e: {  	[sflag:s0] =	ssyncadd.tile.s32 @!p0 $0x1;
	_ =	shalt  }
.Lfunc_end2:
_tile_overlayer_lowered:
.L_overlay_start_2:
0x3f: {  	(tag) =	ssettag $0x2  }
0x40: {  	s0 =	rddreg [dreg:$0x0];
	s2 =	stileid.u32  }
0x41: {  	s1 =	rddreg [dreg:$0x1];
	p0 =	sne.s32 s2, $0x0  }
0x42: {  	s3 =	rddreg [dreg:$0x2];
	[bflag:$0x3] =	sbarrier.arrive $0xFFFF;
	s2 =	simm.s32 @!p0 $0x1C02  }
0x43: {  	[timem:s3], [sflag:s2] =	dma.local @!p0 [hbm:s0], s1  }
0x44: {  	s0 =	simm.s32 @!p0 $0x2  }
0x45: {  	_ =	swait.ge @!p0 [sflag:s0], s1  }
0x46: {  	s1 =	ssub.s32 @!p0 $0x0, s1;
	[sflag:s0] =	ssyncset.done @!p0 $0x0  }
0x47: {  	[sflag:s0] =	ssyncadd.s32 @!p0 s1  }
0x48: {  	[bflag:$0x3] =	sbarrier.arrive $0xFFFF  }
0x49: {  	_ =	shalt  }

// kernel: kernel.20.cloned.1.call-start
scs
__scs_entry_jumppad:
0x0: {  	(pc) =	sbr.rel $0x88, $3  }
0x1: {  	(tag) =	ssettag $0x0;
	lr =	simm.s32 $0x1  }
0x2: {  	[smem:$0x3F91] =	sst lr;
	_ =	strace $0xD0000000  }
0x3: {  	_ = 	snop  }
0x4: {  	_ = 	snop  }
0x5: {  	_ = 	snop  }
0x6: {  	_ = 	snop  }
0x7: {  	_ = 	snop  }
__scs_overlays_trampoline_lowered:
0x8: {  	[smem:$0x3FA0] =	sst s0  }
0x9: {  	[smem:$0x3FA1] =	sst s1  }
0xa: {  	[smem:$0x3FA2] =	sst s2  }
0xb: {  	[smem:$0x3FA3] =	sst s3  }
0xc: {  	[smem:$0x3FA4] =	sst s4  }
0xd: {  	[smem:$0x3FA5] =	sst s5  }
0xe: {  	[smem:$0x3FA6] =	sst s6  }
0xf: {  	[smem:$0x3FA7] =	sst s7  }
0x10: {  	[smem:$0x3FA8] =	sst s8  }
0x11: {  	[smem:$0x3FA9] =	sst s9;
	s0 =	simm.s32 @!p0 $0x0  }
0x12: {  	s1 =	sld [smem:$0x3F8F];
	s0 =	simm.s32 @p0 $0x1  }
0x13: {  	[smem:$0x3FAA] =	sst s0;
	s0 =	simm.s32 @!p1 $0x0  }
0x14: {  	s2 =	sld [smem:$0x3F8E];
	s0 =	simm.s32 @p1 $0x1  }
0x15: {  	[smem:$0x3FAB] =	sst s0;
	s0 =	simm.s32 @!p2 $0x0  }
0x16: {  	s3 =	sld [smem:$0x3FDB];
	s0 =	simm.s32 @p2 $0x1  }
0x17: {  	s4 =	simm.s32 $0x1BF5;
	[smem:$0x3FAD] =	sst s0  }
0x18: {  	s0 =	sld [smem:$0x3F90];
	_ =	swait.ge [sflag:s4], $0x0  }
0x19: {  	s7 =	sld [smem:$0x3F91]  }
0x1a: {  	s8 =	sadd.s32 $0xFFFFE003, lr  }
0x1b: {  	s9 =	sadd.s32 $0xFFFFFEF7, lr;
	s5 =	simm.s32 $0xFFFFFFFF;
	p2 =	slt.u32 s8, $0xFFFFF086  }
0x1c: {  	p1 =	slt.u32 s9, $0xF7A;
	s5 =	simm.s32 @!p2 $0x0  }
0x1d: {  	s5 =	simm.s32 @p1 $0x1;
	p0 =	seq.s32 s7, s2  }
0x1e: {  	s7 =	smul.u32 @!p0 $0xF7A, s2;
	p2 =	seq.s32 @!p0 s5, $0x0  }
0x1f: {  	s9 =	smul.u32 $0xF7A, s1;
	s8 =	simm.s32 @!p0 $0x1BF5;
	p2 =	por !p2, p0  }
0x20: {  	[sflag:s8] =	ssyncset.s32 @!p0 $0xFFFFF086;
	s6 =	sadd.s32 @!p0 s3, s7;
	s7 =	simm.s32 @!p0 $0x108  }
0x21: {  	s3 =	sadd.s32 s3, s9;
	s6 =	sadd.s32 @!p0 $0x88, s6;
	s7 =	simm.s32 @p2 $0x1082  }
0x22: {  	[simem:s7], [sflag:s8] =	dma.local @!p0 [hbm:s6], $0xF7A  }
0x23: {  	s9 =	sor.u32 $0xD0000000, s2;
	s6 =	simm.s32 $0x108;
	_ =	swait.ge @!p0 [sflag:s8], $0x0  }
0x24: {  	s3 =	sadd.s32 $0x88, s3;
	s6 =	simm.s32 @!p1 $0x1082;
	[sflag:s4] =	ssyncset.s32 $0xFFFFF086  }
0x25: {  	[simem:s6], [sflag:s4] =	dma.local [hbm:s3], $0xF7A  }
0x26: {  	[smem:$0x3F91] =	sst s1;
	(tag) =	ssettag s2;
	_ =	strace s9  }
0x27: {  	s1 =	sld [smem:$0x3FA1]  }
0x28: {  	s2 =	sld [smem:$0x3FA2]  }
0x29: {  	s4 =	sld [smem:$0x3FA4]  }
0x2a: {  	p0 =	seq.s32 s5, $0x0;
	s5 =	sld [smem:$0x3FA5]  }
0x2b: {  	s6 =	sld [smem:$0x3FA6]  }
0x2c: {  	s7 =	sld [smem:$0x3FA7]  }
0x2d: {  	s3 =	simm.s32 $0x108;
	s8 =	sld [smem:$0x3FA8]  }
0x2e: {  	s3 =	simm.s32 @!p0 $0x1082;
	s9 =	sld [smem:$0x3FA9]  }
0x2f: {  	lr =	sadd.s32 s0, s3;
	s0 =	sld [smem:$0x3FA0]  }
0x30: {  	s3 =	sld [smem:$0x3FA3]  }
0x31: {  	[smem:$0x3FAC] =	sst s10  }
0x32: {  	s10 =	sld [smem:$0x3FAA];
	_ =	sdelay $0x3  }
0x33: {  	p0 =	seq.s32 s10, $0x1;
	s10 =	sld [smem:$0x3FAC];
	_ =	sdelay $0x3  }
0x34: {  	[smem:$0x3FAC] =	sst s10  }
0x35: {  	s10 =	sld [smem:$0x3FAB];
	_ =	sdelay $0x3  }
0x36: {  	p1 =	seq.s32 s10, $0x1;
	s10 =	sld [smem:$0x3FAC];
	_ =	sdelay $0x3  }
0x37: {  	[smem:$0x3FAC] =	sst s10  }
0x38: {  	s10 =	sld [smem:$0x3FAD]  }
0x39: {  	_ = 	snop;
	(pc) =	sbr.ind lr, $3  }
0x3a: {  	_ = 	snop  }
0x3b: {  	_ = 	snop  }
0x3c: {  	p2 =	seq.s32 s10, $0x1;
	s10 =	sld [smem:$0x3FAC]  }
0x3d: {  	_ =	shalt  }
0x3e: {  	_ =	shalt  }
0x3f: {  	_ =	shalt  }
0x40: {  	_ =	shalt  }
0x41: {  	_ =	shalt  }
0x42: {  	_ =	shalt  }
0x43: {  	_ =	shalt  }
0x44: {  	_ =	shalt  }
0x45: {  	_ =	shalt  }
0x46: {  	_ =	shalt  }
0x47: {  	_ =	shalt  }
0x48: {  	_ =	shalt  }
0x49: {  	_ =	shalt  }
0x4a: {  	_ =	shalt  }
0x4b: {  	_ =	shalt  }
0x4c: {  	_ =	shalt  }
0x4d: {  	_ =	shalt  }
0x4e: {  	_ =	shalt  }
0x4f: {  	_ =	shalt  }
0x50: {  	_ =	shalt  }
0x51: {  	_ =	shalt  }
0x52: {  	_ =	shalt  }
0x53: {  	_ =	shalt  }
0x54: {  	_ =	shalt  }
0x55: {  	_ =	shalt  }
0x56: {  	_ =	shalt  }
0x57: {  	_ =	shalt  }
0x58: {  	_ =	shalt  }
0x59: {  	_ =	shalt  }
0x5a: {  	_ =	shalt  }
0x5b: {  	_ =	shalt  }
0x5c: {  	_ =	shalt  }
0x5d: {  	_ =	shalt  }
0x5e: {  	_ =	shalt  }
0x5f: {  	_ =	shalt  }
0x60: {  	_ =	shalt  }
0x61: {  	_ =	shalt  }
0x62: {  	_ =	shalt  }
0x63: {  	_ =	shalt  }
0x64: {  	_ =	shalt  }
0x65: {  	_ =	shalt  }
0x66: {  	_ =	shalt  }
0x67: {  	_ =	shalt  }
0x68: {  	_ =	shalt  }
0x69: {  	_ =	shalt  }
0x6a: {  	_ =	shalt  }
0x6b: {  	_ =	shalt  }
0x6c: {  	_ =	shalt  }
0x6d: {  	_ =	shalt  }
0x6e: {  	_ =	shalt  }
0x6f: {  	_ =	shalt  }
0x70: {  	_ =	shalt  }
0x71: {  	_ =	shalt  }
0x72: {  	_ =	shalt  }
0x73: {  	_ =	shalt  }
0x74: {  	_ =	shalt  }
0x75: {  	_ =	shalt  }
0x76: {  	_ =	shalt  }
0x77: {  	_ =	shalt  }
0x78: {  	_ =	shalt  }
0x79: {  	_ =	shalt  }
0x7a: {  	_ =	shalt  }
0x7b: {  	_ =	shalt  }
0x7c: {  	_ =	shalt  }
0x7d: {  	_ =	shalt  }
0x7e: {  	_ =	shalt  }
0x7f: {  	_ =	shalt  }
0x80: {  	_ =	shalt  }
0x81: {  	_ =	shalt  }
0x82: {  	_ =	shalt  }
0x83: {  	_ =	shalt  }
0x84: {  	_ =	shalt  }
0x85: {  	_ =	shalt  }
0x86: {  	_ =	shalt  }
0x87: {  	_ =	shalt  }
.Lfunc_end0:
.L_simem_size_0:
called_computation.3_lowered:
.L_overlay_start_0:
0x88: {  	s2 =	sld [smem:$0x3FD9]  }
0x89: {  	s3 =	sld [smem:$0x3FFE];
	_ =	sdelay $0x1  }
0x8a: {  	s1 =	srdreg.scid  }
0x8b: {  	s0 =	sand.u32 $0x1, s1  }
0x8c: {  	s16 =	sshll.u32 s0, $0xA;
	s2 =	sadd.s32 s3, s2  }
0x8d: {  	s2 =	sadd.s32 s2, s16  }
0x8e: {  	[smem:$0x3FB8] =	sst s2  }
0x8f: {  	_ = 	snop  }
0x90: {  	(tm) =	ssettm $0x1  }
0x91: {  	s17 =	sld [smem:$0x3FFB];
	_ =	sdelay $0x3  }
0x92: {  	_ =	strace s17  }
0x93: {  	s2 =	sld [smem:$0x3FFC];
	_ =	sdelay $0x3  }
0x94: {  	_ =	strace s2  }
0x95: {  	s2 =	sld [smem:$0x3FFD];
	_ =	sdelay $0x3  }
0x96: {  	_ =	strace s2  }
0x97: {  	_ =	strace $0x8FFFFFFF  }
0x98: {  	s18 =	sld [smem:$0x3FDB];
	_ =	sdelay $0x1  }
0x99: {  	s19 =	simm.s32 $_scs_section_size  }
0x9a: {  	s4 =	simm.s32 $_size__tile_overlayer_lowered;
	s5 =	simm.s32 $_tile_overlayer_lowered  }
0x9b: {  	s22 =	simm.s32 $0x1BFF;
	s21 =	sshll.u32 s5, $0x1;
	s2 =	sadd.s32 s19, s18  }
0x9c: {  	s6 =	simm.s32 $0x0;
	s20 =	sshll.u32 s4, $0x1;
	s4 =	sadd.s32 s21, s2  }
0x9d: {  	[timem:s6], [sflag:s22] =	dma.local [hbm:s4], s20  }
0x9e: {  	_ =	swait.ge [sflag:s22], s20  }
0x9f: {  	s3 =	ssub.s32 $0x0, s20;
	[sflag:s22] =	ssyncset.done $0x0  }
0xa0: {  	[sflag:s22] =	ssyncadd.s32 s3;
	_ =	sdelay $0x1  }
0xa1: {  	s23 =	simm.s32 $0x1B8B  }
0xa2: {  	_ =	swait.ge [sflag:s23], $0x1  }
0xa3: {  	[sflag:s23] =	ssyncset.done $0x0  }
0xa4: {  	s25 =	simm.s32 $0x1B8E;
	s24 =	sld [smem:$0x3FFE];
	[sflag:s23] =	ssyncadd.s32 $0xFFFFFFFF  }
0xa5: {  	s26 =	simm.s32 $execute0_lowered;
	[smem:$0x3FD2] =	sst s25  }
0xa6: {  	s4 =	sshll.u32 s26, $0x1;
	_ =	strace $0x8000004F;
	[dreg:$0x1] =	wrdreg $0xFFFFFFFF  }
0xa7: {  	s28 =	simm.s32 $_size_execute0_lowered;
	s2 =	sadd.s32 s2, s4;
	[dreg:$0x0] =	wrdreg $0x0  }
0xa8: {  	s4 =	sshll.u32 s28, $0x1;
	[dreg:$0x2] =	wrdreg s2  }
0xa9: {  	[dreg:$0x3] =	wrdreg s4  }
0xaa: {  	[dreg:$0x4] =	wrdreg $0xC0  }
0xab: {  	_ =	task [dreg:s6], $0x5FFFF  }
0xac: {  	[dreg:$0x1] =	wrdreg $0xFFFFFFFF  }
0xad: {  	[dreg:$0x0] =	wrdreg $0x60  }
0xae: {  	[dreg:$0x2] =	wrdreg s24  }
0xaf: {  	[dreg:$0x3] =	wrdreg $0x90000  }
0xb0: {  	[dreg:$0x4] =	wrdreg $0x9  }
0xb1: {  	_ =	task.clear_ibuf [dreg:s6], $0x5FFFF;
	_ =	strace $0x9000004F  }
0xb2: {  	s29 =	simm.s32 $0x9;
	_ =	strace $0x80000051  }
0xb3: {  	_ =	swait.ge [sflag:s29], $0x1  }
0xb4: {  	[sflag:s29] =	ssyncadd.s32 $0xFFFFFFFF  }
0xb5: {  	_ =	strace $0x90000051  }
0xb6: {  	_ =	sfence  }
0xb7: {  	s30 =	sld [smem:$0x0];
	_ =	sdelay $0x2  }
0xb8: {  	s31 =	sshll.u32 s1, $0xD;
	s1 =	sshrl.u32 s1, $0x2  }
0xb9: {  	s3 =	sand.u32 $0x4000, s31;
	s1 =	sadd.s32 s1, s30  }
0xba: {  	s0 =	sor.u32 s3, s0;
	s1 =	sshll.u32 s1, $0x11  }
0xbb: {  	s0 =	sor.u32 s1, s0  }
0xbc: {  	s0 =	sadd.s32 $0x8F2B, s0  }
0xbd: {  	[sflag:s0] =	ssyncadd.remote.s32 $0x1  }
0xbe: {  	_ =	sfence.sel $0xFFFF  }
0xbf: {  	[dreg:$0x0] =	wrdreg $0xFFFFFFFF;
	(pc) =	sbr.abs _section_cstart, $3  }
0xc0: {  	[dreg:$0x1] =	wrdreg $0xFFFFFFFF  }
0xc1: {  	_ =	task.clear_ibuf [dreg:s6], $0x2FFFF;
	_ =	strace $0x9FFFFFFF  }
0xc2: {  	(tm) =	ssettm $0x7FFFFFFF  }
0xc3: {  	_ =	shalt  }
tec
execute0_lowered:
.L_overlay_start_1:
0x0: {  	(tag) =	ssettag $0x1  }
0x1: {  	s1 =	srdreg.scid  }
0x2: {  	s0 =	stileid.u32;
	s7 =	rddreg [dreg:$0x0]  }
0x3: {  	s2 =	rddreg [dreg:$0x1];
	s3 =	simm.s32 $0x0;
	s14 =	simm.s32 $0x80  }
0x4: {  	s15 =	simm.s32 $0x5000;
	s16 =	simm.s32 $0x1;
	s17 =	simm.s32 $0x0  }
0x5: {  	s6 =	sand.u32 $0x1, s1;
	s26 =	sshll.u32 s0, $0x1;
	s9 =	smul.u32 $0x14000, s0  }
0x6: {  	[smem:$0x7FF] =	sst s3;
	s4 =	sadd.s32 $0x12E00, s7;
	s28 =	smul.u32 $0x50000, s0  }
0x7: {  	s31 =	sshll.u32 s0, $0x6;
	s1 =	sor.u32 s6, s26;
	s8 =	smul.u32 $0x140000, s6  }
0x8: {  	s6 =	ssub.s32 $0x2, s6;
	s5 =	smul.u32 $0x500, s1;
	s1 =	rddreg [dreg:$0x2]  }
0x9: {  	_ =	strace $0x80000050;
	s29 =	sshrl.u32 s6, $0x1;
	s30 =	sshrl.u32 s28, $0x2  }
0xa: {  	s8 =	sadd.s32 s9, s8;
	s12 =	ssub.s32 s6, s29;
	s13 =	sadd.s32 s30, s2  }
0xb: {  	s6 =	sor.u32 $0x1C02, s31;
	s10 =	sadd.s32 s5, s7;
	s8 =	sshrl.u32 s8, $0x3  }
0xc: {  	s5 =	sadd.s32 $0x10600, s7;
	s11 =	sadd.s32 s8, s7;
	s7 =	sadd.s32 $0x63600, s10  }
0xd: {  	s8 =	sadd.s32 $0x6600, s10;
	s10 =	smax.u32 s12, $0x1;
	s12 =	simm.s32 $0x2  }
0xe: {  	s9 =	sadd.s32 $0x6D600, s11;
	s11 =	sshrl.u32 s13, $0x3;
	s13 =	simm.s32 $0x2800  }
.LBB2_1:
0xf: {  	[spmem:s11], [sflag:s6] =	dma.local [hbm:s5], $0x2800  }
0x10: {  	_ =	swait.ge [sflag:s12], $0x2800  }
0x11: {  	[sflag:s12] =	ssyncset.done $0x0  }
0x12: {  	[sflag:s12] =	ssyncadd.s32 $0xFFFFD800  }
0x13: {  	[tilespmem:s3], [sflag:$0x2] =	stream.linear.gather [hbm4b:s7+s3], $0x2800, $0x38;
	[tilespmem:$0x1D000] =	vst v63  }
0x14: {  	_ =	swait.ge [sflag:s12], $0x2800  }
0x15: {  	[sflag:s12] =	ssyncset.done $0x0  }
0x16: {  	[sflag:s12] =	ssyncadd.s32 $0xFFFFD800  }
0x17: {  	[tilespmem:s13], [sflag:$0x2] =	stream.linear.gather [hbm4b:s8+s3], $0x2800, $0x38;
	[tilespmem:$0x1D000] =	vst v63  }
0x18: {  	_ =	swait.ge [sflag:s12], $0x2800  }
0x19: {  	[sflag:s12] =	ssyncset.done $0x0  }
0x1a: {  	[sflag:s12] =	ssyncadd.s32 $0xFFFFD800  }
0x1b: {  	s18 =	simm.s32 $0x0;
	[bflag:$0x0] =	sbarrier.arrive $0xFFFF  }
0x1c: {  	[tilespmem:s15], [sflag:$0x1] =	stream.indirect.gather [hbm4b:s4+s14], $0x80, s18, s14, $0xb8;
	[tilespmem:$0x1D000] =	vst v63  }
0x1d: {  	_ =	swait.ge [sflag:s16], $0x4000  }
0x1e: {  	[sflag:s16] =	ssyncset.done $0x0  }
0x1f: {  	s31 =	simm.s32 $0x2800;
	[sflag:s16] =	ssyncadd.s32 $0xFFFFC000  }
0x20: {  	[spmem:s2] =	stream.indirect.scatter.add.f32 [tilespmem:s15], [sflag:$0x2], $0x80, s31, s14, $0xb8;
	[tilespmem:$0x1D000] =	vst v63  }
0x21: {  	_ =	swait.ge [sflag:s12], $0x4000  }
0x22: {  	s19 =	simm.s32 $0x400;
	s18 =	simm.s32 $0x200;
	[sflag:s12] =	ssyncset.done $0x0  }
.LBB2_2:
0x23: {  	s20 =	sshra.s32 s18, $0x2  }
0x24: {  	[sflag:s12] =	ssyncadd.s32 $0xFFFFC000;
	s18 =	smov.u32 s19;
	s21 =	sadd.s32 $0x200, s19  }
0x25: {  	[tilespmem:s15], [sflag:$0x1] =	stream.indirect.gather [hbm4b:s4+s14], $0x80, s20, s14, $0xb8;
	[tilespmem:$0x1D000] =	vst v63  }
0x26: {  	p0 =	sne.s32 s19, $0x9E00;
	_ =	swait.ge [sflag:s16], $0x4000  }
.Ltmp0:
0x27: {  	[sflag:s16] =	ssyncset.done $0x0;
	(pc) =	sbr.rel @p0 .LBB2_2-.Ltmp0, $4  }
0x28: {  	s19 =	sadd.s32 $0x2800, s20;
	[sflag:s16] =	ssyncadd.s32 $0xFFFFC000  }
0x29: {  	[spmem:s2] =	stream.indirect.scatter.add.f32 [tilespmem:s15], [sflag:$0x2], $0x80, s19, s14, $0xb8;
	[tilespmem:$0x1D000] =	vst v63  }
0x2a: {  	_ =	swait.ge [sflag:s12], $0x4000  }
0x2b: {  	s19 =	smov.u32 s21;
	[sflag:s12] =	ssyncset.done $0x0  }
0x2c: {  	s18 =	sshra.s32 s18, $0x2;
	[sflag:s12] =	ssyncadd.s32 $0xFFFFC000  }
0x2d: {  	[tilespmem:s15], [sflag:$0x1] =	stream.indirect.gather [hbm4b:s4+s14], $0x80, s18, s14, $0xb8;
	[tilespmem:$0x1D000] =	vst v63  }
0x2e: {  	_ =	swait.ge [sflag:s16], $0x4000  }
0x2f: {  	[sflag:s16] =	ssyncset.done $0x0  }
0x30: {  	s18 =	sadd.s32 $0x2800, s18;
	[sflag:s16] =	ssyncadd.s32 $0xFFFFC000  }
0x31: {  	[spmem:s2] =	stream.indirect.scatter.add.f32 [tilespmem:s15], [sflag:$0x2], $0x80, s18, s14, $0xb8;
	[tilespmem:$0x1D000] =	vst v63  }
0x32: {  	_ =	swait.ge [sflag:s12], $0x4000  }
0x33: {  	s17 =	sadd.s32 $0x1, s17;
	[sflag:s12] =	ssyncset.done $0x0  }
0x34: {  	p0 =	sne.s32 s17, s10;
	[sflag:s12] =	ssyncadd.s32 $0xFFFFC000  }
.Ltmp1:
0x35: {  	[bflag:$0x0] =	sbarrier.arrive $0xFFFF;
	(pc) =	sbr.rel @p0 .LBB2_1-.Ltmp1, $4  }
0x36: {  	[hbm:s9], [sflag:s6] =	dma.local [spmem:s11], $0x2800  }
0x37: {  	_ =	swait.ge [sflag:s12], $0x2800  }
0x38: {  	[sflag:s12] =	ssyncset.done $0x0  }
0x39: {  	[sflag:s12] =	ssyncadd.s32 $0xFFFFD800  }
0x3a: {  	_ =	sfence.sel $0x180000  }
0x3b: {  	[bflag:$0x0] =	sbarrier.arrive $0xFFFF  }
0x3c: {  	p0 =	sne.s32 s0, $0x0;
	_ =	strace $0x90000050  }
0x3d: {  	s0 =	sadd.s32 @!p0 $0x100000, s1;
	[bflag:$0x2] =	sbarrier.arrive $0xFFFF  }
0x3e: {  	[sflag:s0] =	ssyncadd.tile.s32 @!p0 $0x1;
	_ =	shalt  }
.Lfunc_end2:
_tile_overlayer_lowered:
.L_overlay_start_2:
0x3f: {  	(tag) =	ssettag $0x2  }
0x40: {  	s0 =	rddreg [dreg:$0x0];
	s2 =	stileid.u32  }
0x41: {  	s1 =	rddreg [dreg:$0x1];
	p0 =	sne.s32 s2, $0x0  }
0x42: {  	s3 =	rddreg [dreg:$0x2];
	[bflag:$0x3] =	sbarrier.arrive $0xFFFF;
	s2 =	simm.s32 @!p0 $0x1C02  }
0x43: {  	[timem:s3], [sflag:s2] =	dma.local @!p0 [hbm:s0], s1  }
0x44: {  	s0 =	simm.s32 @!p0 $0x2  }
0x45: {  	_ =	swait.ge @!p0 [sflag:s0], s1  }
0x46: {  	s1 =	ssub.s32 @!p0 $0x0, s1;
	[sflag:s0] =	ssyncset.done @!p0 $0x0  }
0x47: {  	[sflag:s0] =	ssyncadd.s32 @!p0 s1  }
0x48: {  	[bflag:$0x3] =	sbarrier.arrive $0xFFFF  }
0x49: {  	_ =	shalt  }

</sc_bundles>
